<compile_context>
chip_gen: v7x
topology: tpu7x:2x2x1
jax: 0.10.2.dev20260603
libtpu: 0.0.44.dev20260713+nightly
codegen_flags: <defaults>
</compile_context>

<pallas_src>
import functools

import jax
import jax.numpy as jnp
from jax import lax
from jax.experimental import pallas as pl
from jax.experimental.pallas import tpu as pltpu
from jax.experimental.pallas import tpu_sc as plsc

_N = 10000
_E = 320000
_D = 128
_DE = 16

_NC = 2
_NS = 16
_NW = _NC * _NS
_EPW = _E // _NW
_SUB = 125
_C = 1000
_NSUB = _C // _SUB
_NCH = _EPW // _C
_RPS = 624
_RTL = _N - _RPS * _NS

_E8 = _E // 8


def _tc_pre_body(x_ref, we_ref, p1_ref, p2_ref):
    x = x_ref[...]
    w = we_ref[...]
    p1_ref[...] = jnp.dot(x, w[0:_D, :], preferred_element_type=jnp.float32)
    p2_ref[...] = jnp.dot(x, w[_D:2 * _D, :], preferred_element_type=jnp.float32)


_tc_pre = pl.pallas_call(
    _tc_pre_body,
    out_shape=(
        jax.ShapeDtypeStruct((_N, _DE), jnp.float32),
        jax.ShapeDtypeStruct((_N, _DE), jnp.float32),
    ),
)


def _tc_base_body(ea_ref, w_ref, b_ref, o_ref):
    o_ref[...] = (
        jnp.dot(ea_ref[...], w_ref[...], preferred_element_type=jnp.float32)
        + b_ref[...]
    )


_BLK = 4000
_tc_base = pl.pallas_call(
    _tc_base_body,
    grid=(_E8 // _BLK,),
    in_specs=[
        pl.BlockSpec((_BLK, 8 * _DE), lambda i: (i, 0)),
        pl.BlockSpec((8 * _DE, 8 * _DE), lambda i: (0, 0)),
        pl.BlockSpec((1, 8 * _DE), lambda i: (0, 0)),
    ],
    out_specs=pl.BlockSpec((_BLK, 8 * _DE), lambda i: (i, 0)),
    out_shape=jax.ShapeDtypeStruct((_E8, 8 * _DE), jnp.float32),
)


def _sc_body(p1_hbm, p2_hbm, base_hbm, si_hbm, di_hbm, eout_hbm, part_hbm,
             idx_sA, idx_dA, psA, pdA, bbA,
             idx_sB, idx_dB, psB, pdB, bbB,
             en, agg_sh,
             sg1A, sg2A, sstA, sg1B, sg2B, sstB, sem_st, sem_sc):
    c = lax.axis_index("c")
    s = lax.axis_index("s")
    wid = c * _NS + s

    zero = jnp.zeros((_DE,), jnp.float32)

    def _z(i, carry):
        psA[i] = zero
        return carry

    lax.fori_loop(0, _RPS, _z, 0)
    a0 = pl.multiple_of(s * _RPS, 8)
    pltpu.sync_copy(psA.at[pl.ds(0, _RPS)], agg_sh.at[pl.ds(a0, _RPS)])

    @pl.when(s == 0)
    def _zero_tail():
        pltpu.sync_copy(psA.at[pl.ds(0, _RTL)],
                        agg_sh.at[pl.ds(_RPS * _NS, _RTL)])

    plsc.subcore_barrier()

    def _prefetch(g, idx_s, idx_d, ps, pd, bb, sg1, sg2, sst):
        e0 = pl.multiple_of(wid * _EPW + g * _C, _C)
        r0 = pl.multiple_of(wid * (_EPW // _SUB) + g * _NSUB, _NSUB)
        pltpu.sync_copy(si_hbm.at[pl.ds(r0, _NSUB)], idx_s)
        pltpu.sync_copy(di_hbm.at[pl.ds(r0, _NSUB)], idx_d)
        b0 = pl.multiple_of(e0 * _DE, _C * _DE)
        pltpu.async_copy(base_hbm.at[pl.ds(b0, _C * _DE)], bb, sst)

        def _fire(j, cc):
            pltpu.async_copy(p1_hbm.at[idx_s.at[j]],
                             ps.at[pl.ds(j * _SUB, _SUB)], sg1)
            pltpu.async_copy(p2_hbm.at[idx_d.at[j]],
                             pd.at[pl.ds(j * _SUB, _SUB)], sg2)
            return cc

        lax.fori_loop(0, _NSUB, _fire, 0)

    def _process(g, idx_d, ps, pd, bb, sg1, sg2, sst):
        e0 = pl.multiple_of(wid * _EPW + g * _C, _C)
        pltpu.make_async_copy(base_hbm.at[pl.ds(0, _C * _DE)], bb, sst).wait()
        pltpu.make_async_copy(
            eout_hbm.at[pl.ds(0, _C), pl.ds(0, _DE)], ps, sg1).wait()
        pltpu.make_async_copy(
            eout_hbm.at[pl.ds(0, _C), pl.ds(0, _DE)], pd, sg2).wait()

        def _cmp(i, cc):
            en[i] = jnp.maximum(bb[pl.ds(i * _DE, _DE)] + ps[i] + pd[i], 0.0)
            return cc

        lax.fori_loop(0, _C, _cmp, 0)

        h_out = pltpu.async_copy(
            en, eout_hbm.at[pl.ds(e0, _C), pl.ds(0, _DE)], sem_st)

        def _scat(j, cc):
            pltpu.async_copy(en.at[pl.ds(j * _SUB, _SUB)],
                             agg_sh.at[idx_d.at[j]], sem_sc, add=True)
            return cc

        lax.fori_loop(0, _NSUB, _scat, 0)
        h_out.wait()
        pltpu.make_async_copy(
            eout_hbm.at[pl.ds(0, _C), pl.ds(0, _DE)], en, sem_sc).wait()

    bufA = (idx_sA, idx_dA, psA, pdA, bbA, sg1A, sg2A, sstA)
    bufB = (idx_sB, idx_dB, psB, pdB, bbB, sg1B, sg2B, sstB)

    _prefetch(0, *bufA)

    def _pair(gg, carry):
        g = gg * 2
        _prefetch(g + 1, *bufB)
        _process(g, *bufA[1:])

        @pl.when(g + 2 < _NCH)
        def _pf_next():
            _prefetch(g + 2, *bufA)

        _process(g + 1, *bufB[1:])
        return carry

    lax.fori_loop(0, _NCH // 2, _pair, 0)

    plsc.subcore_barrier()
    pltpu.sync_copy(agg_sh.at[pl.ds(a0, _RPS)], psA.at[pl.ds(0, _RPS)])
    pltpu.sync_copy(psA.at[pl.ds(0, _RPS)],
                    part_hbm.at[c, pl.ds(a0, _RPS), pl.ds(0, _DE)])

    @pl.when(s == 0)
    def _dump_tail():
        pltpu.sync_copy(agg_sh.at[pl.ds(_RPS * _NS, _RTL)],
                        pdA.at[pl.ds(0, _RTL)])
        pltpu.sync_copy(pdA.at[pl.ds(0, _RTL)],
                        part_hbm.at[c, pl.ds(_RPS * _NS, _RTL), pl.ds(0, _DE)])


@functools.cache
def _sc_edges():
    return functools.partial(
        pl.kernel,
        out_type=(
            jax.ShapeDtypeStruct((_E, 8 * _DE), jnp.float32),
            jax.ShapeDtypeStruct((_NC, _N, 8 * _DE), jnp.float32),
        ),
        mesh=plsc.VectorSubcoreMesh(core_axis_name="c", subcore_axis_name="s",
                                    num_cores=_NC, num_subcores=_NS),
        scratch_types=[
            pltpu.VMEM((_NSUB, _SUB), jnp.int32),
            pltpu.VMEM((_NSUB, _SUB), jnp.int32),
            pltpu.VMEM((_C, _DE), jnp.float32),
            pltpu.VMEM((_C, _DE), jnp.float32),
            pltpu.VMEM((_C * _DE,), jnp.float32),
            pltpu.VMEM((_NSUB, _SUB), jnp.int32),
            pltpu.VMEM((_NSUB, _SUB), jnp.int32),
            pltpu.VMEM((_C, _DE), jnp.float32),
            pltpu.VMEM((_C, _DE), jnp.float32),
            pltpu.VMEM((_C * _DE,), jnp.float32),
            pltpu.VMEM((_C, _DE), jnp.float32),
            pltpu.VMEM_SHARED((_N, _DE), jnp.float32),
            pltpu.SemaphoreType.DMA,
            pltpu.SemaphoreType.DMA,
            pltpu.SemaphoreType.DMA,
            pltpu.SemaphoreType.DMA,
            pltpu.SemaphoreType.DMA,
            pltpu.SemaphoreType.DMA,
            pltpu.SemaphoreType.DMA,
            pltpu.SemaphoreType.DMA,
        ],
        compiler_params=pltpu.CompilerParams(use_tc_tiling_on_sc=False),
    )(_sc_body)


def _tc_post_body(x_ref, pp_ref, wn_ref, bn_ref, o_ref):
    x = x_ref[...]
    agg = pp_ref[0] + pp_ref[1]
    wn = wn_ref[...]
    o = (
        jnp.dot(x, wn[0:_D, :], preferred_element_type=jnp.float32)
        + jnp.dot(agg, wn[_D:_D + _DE, :], preferred_element_type=jnp.float32)
        + bn_ref[...]
    )
    o_ref[...] = jnp.maximum(o, 0.0)


_tc_post = pl.pallas_call(
    _tc_post_body,
    out_shape=jax.ShapeDtypeStruct((_N, _D), jnp.float32),
)


def kernel(x, edge_index, edge_attr, W_e, b_e, W_n, b_n):
    src = edge_index[0].reshape(_E // _SUB, _SUB)
    dst = edge_index[1].reshape(_E // _SUB, _SUB)
    p1, p2 = _tc_pre(x, W_e)
    w3b = jnp.kron(jnp.eye(8, dtype=jnp.float32), W_e[2 * _D:])
    b8 = jnp.tile(b_e, 8).reshape(1, 8 * _DE)
    base = _tc_base(edge_attr.reshape(_E8, 8 * _DE), w3b, b8).reshape(-1)
    eout128, part128 = _sc_edges()(p1, p2, base, src, dst)
    x_new = _tc_post(x, part128[:, :, :_DE], W_n, b_n.reshape(1, _D))
    return x_new, eout128[:, :_DE]

# --- scband reference (transcript-rebuilt; emitter-appended) ---
"""Pipeline reference for scband-meta-layer-7103875907705 (READ-ONLY COPY).

The authoritative reference and input builder live on the scoring server;
editing this copy changes nothing except your own understanding.
"""

import jax, jax.numpy as jnp
import numpy as np

N = 10000
E = 320000
D = 128
DE = 16


def setup_inputs(seed: int = 0) -> dict:
    key = jax.random.key(seed)
    ks = jax.random.split(key, 6)
    x = jax.random.normal(ks[0], (N, D), dtype=jnp.float32)
    edge_index = jax.random.randint(ks[1], (2, E), 0, N, dtype=jnp.int32)
    edge_attr = jax.random.normal(ks[2], (E, DE), dtype=jnp.float32)
    # EdgeModel: MLP on concat([x_src, x_dest, edge_attr]) -> new edge_attr [E, DE]
    W_e = jax.random.normal(ks[3], (2 * D + DE, DE), dtype=jnp.float32) * 0.05
    b_e = jnp.zeros((DE,), dtype=jnp.float32)
    # NodeModel: MLP on concat([x, scatter_sum(edge_attr_new by dest)]) -> new x [N, D]
    W_n = jax.random.normal(ks[4], (D + DE, D), dtype=jnp.float32) * 0.05
    b_n = jnp.zeros((D,), dtype=jnp.float32)
    return {"x": x, "edge_index": edge_index, "edge_attr": edge_attr,
            "W_e": W_e, "b_e": b_e, "W_n": W_n, "b_n": b_n}


def reference(x, edge_index, edge_attr, W_e, b_e, W_n, b_n):
    src = edge_index[0]
    dest = edge_index[1]
    # edge_model(x[src], x[dest], edge_attr)
    e_in = jnp.concatenate([jnp.take(x, src, axis=0), jnp.take(x, dest, axis=0), edge_attr], axis=1)
    edge_attr_new = jax.nn.relu(e_in @ W_e + b_e)
    # node_model(x, dest, edge_attr_new, f=None): scatter-add aggregate then MLP
    agg = jax.ops.segment_sum(edge_attr_new, dest, num_segments=x.shape[0])
    n_in = jnp.concatenate([x, agg], axis=1)
    x_new = jax.nn.relu(n_in @ W_n + b_n)
    return (x_new, edge_attr_new)

if __name__ == "__main__":
    import jax
    _d = setup_inputs()
    print(jax.jit(kernel)(*tuple(_d.values())))

</pallas_src>

<mosaic_0001>
#map = affine_map<(d0, d1) -> (0, 0)>
#map1 = affine_map<(d0, d1) -> (0)>
#map2 = affine_map<(d0, d1) -> (0, 0, 0)>
module attributes {stable_mosaic.version = 14 : i64} {
  func.func @_sc_body(%arg0: i32, %arg1: i32, %arg2: memref<10000x16xf32, #tpu.memory_space<hbm>>, %arg3: memref<10000x16xf32, #tpu.memory_space<hbm>>, %arg4: memref<5120000xf32, #tpu.memory_space<hbm>>, %arg5: memref<2560x125xi32, #tpu.memory_space<hbm>>, %arg6: memref<2560x125xi32, #tpu.memory_space<hbm>>, %arg7: memref<320000x128xf32, #tpu.memory_space<hbm>>, %arg8: memref<2x10000x128xf32, #tpu.memory_space<hbm>>, %arg9: memref<8x125xi32, #tpu.memory_space<vmem>>, %arg10: memref<8x125xi32, #tpu.memory_space<vmem>>, %arg11: memref<1000x16xf32, #tpu.memory_space<vmem>>, %arg12: memref<1000x16xf32, #tpu.memory_space<vmem>>, %arg13: memref<16000xf32, #tpu.memory_space<vmem>>, %arg14: memref<8x125xi32, #tpu.memory_space<vmem>>, %arg15: memref<8x125xi32, #tpu.memory_space<vmem>>, %arg16: memref<1000x16xf32, #tpu.memory_space<vmem>>, %arg17: memref<1000x16xf32, #tpu.memory_space<vmem>>, %arg18: memref<16000xf32, #tpu.memory_space<vmem>>, %arg19: memref<1000x16xf32, #tpu.memory_space<vmem>>, %arg20: memref<10000x16xf32, #tpu.memory_space<vmem_shared>>, %arg21: memref<!tpu.dma_semaphore, #tpu.memory_space<semaphore_mem>>, %arg22: memref<!tpu.dma_semaphore, #tpu.memory_space<semaphore_mem>>, %arg23: memref<!tpu.dma_semaphore, #tpu.memory_space<semaphore_mem>>, %arg24: memref<!tpu.dma_semaphore, #tpu.memory_space<semaphore_mem>>, %arg25: memref<!tpu.dma_semaphore, #tpu.memory_space<semaphore_mem>>, %arg26: memref<!tpu.dma_semaphore, #tpu.memory_space<semaphore_mem>>, %arg27: memref<!tpu.dma_semaphore, #tpu.memory_space<semaphore_mem>>, %arg28: memref<!tpu.dma_semaphore, #tpu.memory_space<semaphore_mem>>) attributes {dimension_semantics = [#tpu.dimension_semantics<core_parallel>, #tpu.dimension_semantics<subcore_parallel>], iteration_bounds = array<i64: 2, 16>, scalar_prefetch = 0 : i64, scratch_operands = 20 : i64, tpu.core_type = #tpu.core_type<sc_vector_subcore>, window_params = [{transform_indices = #map}, {transform_indices = #map}, {transform_indices = #map1}, {transform_indices = #map}, {transform_indices = #map}, {transform_indices = #map}, {transform_indices = #map2}]} {
    %mul3A = arith.constant 16 : i32
    %mul3A_0 = arith.muli %arg0, %mul3A : i32
    %add3A = arith.addi %mul3A_0, %arg1 : i32
    %broadcast_in_dim3A = arith.constant 0.000000e+00 : f32
    %broadcast_in_dim3A_1 = vector.broadcast %broadcast_in_dim3A : f32 to vector<16xf32>
    %scan3A = arith.constant 0 : i32
    %scan3A_2 = arith.constant 0 : i32
    %scan3A_3 = arith.constant 624 : i32
    %scan3A_4 = arith.addi %scan3A_2, %scan3A_3 : i32
    %scan3A_5 = arith.constant 1 : i32
    scf.for %scan3A_43 = %scan3A_2 to %scan3A_4 step %scan3A_5  : i32 {
      %swap3A = arith.index_cast %scan3A_43 : i32 to index
      %swap3A_44 = arith.constant 0 : index
      %swap3A_45 = tpu.vector_load %arg11[%swap3A, %swap3A_44] {strides = array<i32>} : memref<1000x16xf32, #tpu.memory_space<vmem>>, vector<1x16xf32>,
      %swap3A_46 = vector.shape_cast %swap3A_45 : vector<1x16xf32> to vector<16xf32>
      %swap3A_47 = vector.shape_cast %broadcast_in_dim3A_1 : vector<16xf32> to vector<1x16xf32>
      tpu.vector_store %arg11[%swap3A, %swap3A_44], %swap3A_47 {strides = array<i32>} : memref<1000x16xf32, #tpu.memory_space<vmem>>, vector<1x16xf32>,
    }
    %scan3A_6 = arith.constant 624 : i32
    %mul3A_7 = arith.constant 624 : i32
    %mul3A_8 = arith.muli %arg1, %mul3A_7 : i32
    %multiple_of3A = tpu.assume_multiple %mul3A_8, 8 : i32
    "tpu.region"() ({
      %run_scoped3A = tpu.sem_alloc : memref<!tpu.dma_semaphore, #tpu.memory_space<semaphore_mem>>
      %dma_start3A_43 = arith.constant 0 : i32
      %dma_start3A_44 = arith.constant 0 : i32
      %dma_start3A_45 = tpu.memref_slice %arg11[%dma_start3A_43, %dma_start3A_44] : memref<1000x16xf32, #tpu.memory_space<vmem>> -> memref<624x16xf32, #tpu.memory_space<vmem>>
      %dma_start3A_46 = arith.constant 0 : i32
      %dma_start3A_47 = tpu.memref_slice %arg20[%multiple_of3A, %dma_start3A_46] : memref<10000x16xf32, #tpu.memory_space<vmem_shared>> -> memref<624x16xf32, #tpu.memory_space<vmem_shared>>
      %dma_start3A_48 = arith.constant 0 : i32
      %dma_start3A_49 = tpu.memref_slice %arg20[%multiple_of3A, %dma_start3A_48] : memref<10000x16xf32, #tpu.memory_space<vmem_shared>> -> memref<624x16xf32, #tpu.memory_space<vmem_shared>>
      %dma_start3A_50 = arith.constant 0 : i32
      %dma_start3A_51 = arith.constant 0 : i32
      %dma_start3A_52 = tpu.memref_slice %arg11[%dma_start3A_50, %dma_start3A_51] : memref<1000x16xf32, #tpu.memory_space<vmem>> -> memref<624x16xf32, #tpu.memory_space<vmem>>
      tpu.enqueue_dma source(%dma_start3A_52 : memref<624x16xf32, #tpu.memory_space<vmem>>) target(%dma_start3A_49 : memref<624x16xf32, #tpu.memory_space<vmem_shared>>) target_semaphore(%run_scoped3A : memref<!tpu.dma_semaphore, #tpu.memory_space<semaphore_mem>>)
      %dma_wait3A = arith.constant 0 : i32
      %dma_wait3A_53 = arith.constant 0 : i32
      %dma_wait3A_54 = tpu.memref_slice %arg11[%dma_wait3A, %dma_wait3A_53] : memref<1000x16xf32, #tpu.memory_space<vmem>> -> memref<624x16xf32, #tpu.memory_space<vmem>>
      %dma_wait3A_55 = arith.constant 0 : i32
      %dma_wait3A_56 = tpu.memref_slice %arg20[%multiple_of3A, %dma_wait3A_55] : memref<10000x16xf32, #tpu.memory_space<vmem_shared>> -> memref<624x16xf32, #tpu.memory_space<vmem_shared>>
      %dma_wait3A_57 = arith.constant 0 : i32
      %dma_wait3A_58 = tpu.memref_slice %arg20[%multiple_of3A, %dma_wait3A_57] : memref<10000x16xf32, #tpu.memory_space<vmem_shared>> -> memref<624x16xf32, #tpu.memory_space<vmem_shared>>
      %dma_wait3A_59 = arith.constant 0 : i32
      %dma_wait3A_60 = arith.constant 0 : i32
      %dma_wait3A_61 = tpu.memref_slice %arg11[%dma_wait3A_59, %dma_wait3A_60] : memref<1000x16xf32, #tpu.memory_space<vmem>> -> memref<624x16xf32, #tpu.memory_space<vmem>>
      tpu.wait_dma2 semaphore(%run_scoped3A : memref<!tpu.dma_semaphore, #tpu.memory_space<semaphore_mem>>) src(%dma_wait3A_61 : memref<624x16xf32, #tpu.memory_space<vmem>>) dst(%dma_wait3A_58 : memref<624x16xf32, #tpu.memory_space<vmem_shared>>)
      tpu.yield
    }) : () -> ()
    %eq3A = arith.constant 0 : i32
    %eq3A_9 = arith.cmpi eq, %arg1, %eq3A : i32
    %convert_element_type3A = arith.extui %eq3A_9 : i1 to i32
    %cond3A = arith.constant 0 : i32
    %cond3A_10 = arith.cmpi ne, %convert_element_type3A, %cond3A : i32
    scf.if %cond3A_10 {
      "tpu.region"() ({
        %run_scoped3A = tpu.sem_alloc : memref<!tpu.dma_semaphore, #tpu.memory_space<semaphore_mem>>
        %dma_start3A_43 = arith.constant 0 : i32
        %dma_start3A_44 = arith.constant 0 : i32
        %dma_start3A_45 = tpu.memref_slice %arg11[%dma_start3A_43, %dma_start3A_44] : memref<1000x16xf32, #tpu.memory_space<vmem>> -> memref<16x16xf32, #tpu.memory_space<vmem>>
        %dma_start3A_46 = arith.constant 9984 : i32
        %dma_start3A_47 = arith.constant 0 : i32
        %dma_start3A_48 = tpu.memref_slice %arg20[%dma_start3A_46, %dma_start3A_47] : memref<10000x16xf32, #tpu.memory_space<vmem_shared>> -> memref<16x16xf32, #tpu.memory_space<vmem_shared>>
        %dma_start3A_49 = arith.constant 9984 : i32
        %dma_start3A_50 = arith.constant 0 : i32
        %dma_start3A_51 = tpu.memref_slice %arg20[%dma_start3A_49, %dma_start3A_50] : memref<10000x16xf32, #tpu.memory_space<vmem_shared>> -> memref<16x16xf32, #tpu.memory_space<vmem_shared>>
        %dma_start3A_52 = arith.constant 0 : i32
        %dma_start3A_53 = arith.constant 0 : i32
        %dma_start3A_54 = tpu.memref_slice %arg11[%dma_start3A_52, %dma_start3A_53] : memref<1000x16xf32, #tpu.memory_space<vmem>> -> memref<16x16xf32, #tpu.memory_space<vmem>>
        tpu.enqueue_dma source(%dma_start3A_54 : memref<16x16xf32, #tpu.memory_space<vmem>>) target(%dma_start3A_51 : memref<16x16xf32, #tpu.memory_space<vmem_shared>>) target_semaphore(%run_scoped3A : memref<!tpu.dma_semaphore, #tpu.memory_space<semaphore_mem>>)
        %dma_wait3A = arith.constant 0 : i32
        %dma_wait3A_55 = arith.constant 0 : i32
        %dma_wait3A_56 = tpu.memref_slice %arg11[%dma_wait3A, %dma_wait3A_55] : memref<1000x16xf32, #tpu.memory_space<vmem>> -> memref<16x16xf32, #tpu.memory_space<vmem>>
        %dma_wait3A_57 = arith.constant 9984 : i32
        %dma_wait3A_58 = arith.constant 0 : i32
        %dma_wait3A_59 = tpu.memref_slice %arg20[%dma_wait3A_57, %dma_wait3A_58] : memref<10000x16xf32, #tpu.memory_space<vmem_shared>> -> memref<16x16xf32, #tpu.memory_space<vmem_shared>>
        %dma_wait3A_60 = arith.constant 9984 : i32
        %dma_wait3A_61 = arith.constant 0 : i32
        %dma_wait3A_62 = tpu.memref_slice %arg20[%dma_wait3A_60, %dma_wait3A_61] : memref<10000x16xf32, #tpu.memory_space<vmem_shared>> -> memref<16x16xf32, #tpu.memory_space<vmem_shared>>
        %dma_wait3A_63 = arith.constant 0 : i32
        %dma_wait3A_64 = arith.constant 0 : i32
        %dma_wait3A_65 = tpu.memref_slice %arg11[%dma_wait3A_63, %dma_wait3A_64] : memref<1000x16xf32, #tpu.memory_space<vmem>> -> memref<16x16xf32, #tpu.memory_space<vmem>>
        tpu.wait_dma2 semaphore(%run_scoped3A : memref<!tpu.dma_semaphore, #tpu.memory_space<semaphore_mem>>) src(%dma_wait3A_65 : memref<16x16xf32, #tpu.memory_space<vmem>>) dst(%dma_wait3A_62 : memref<16x16xf32, #tpu.memory_space<vmem_shared>>)
        tpu.yield
      }) : () -> ()
    } else {
    }
    %barrier3A = arith.constant 0 : index
    tpu.barrier barrier_id(%barrier3A)
    %mul3A_11 = arith.constant 10000 : i32
    %mul3A_12 = arith.muli %add3A, %mul3A_11 : i32
    %add3A_13 = arith.constant 0 : i32
    %add3A_14 = arith.addi %mul3A_12, %add3A_13 : i32
    %multiple_of3A_15 = tpu.assume_multiple %add3A_14, 1000 : i32
    %mul3A_16 = arith.constant 80 : i32
    %mul3A_17 = arith.muli %add3A, %mul3A_16 : i32
    %add3A_18 = arith.constant 0 : i32
    %add3A_19 = arith.addi %mul3A_17, %add3A_18 : i32
    %multiple_of3A_20 = tpu.assume_multiple %add3A_19, 8 : i32
    "tpu.region"() ({
      %run_scoped3A = tpu.sem_alloc : memref<!tpu.dma_semaphore, #tpu.memory_space<semaphore_mem>>
      %dma_start3A_43 = arith.constant 0 : i32
      %dma_start3A_44 = tpu.memref_slice %arg5[%multiple_of3A_20, %dma_start3A_43] : memref<2560x125xi32, #tpu.memory_space<hbm>> -> memref<8x125xi32, #tpu.memory_space<hbm>>
      %dma_start3A_45 = arith.constant 0 : i32
      %dma_start3A_46 = tpu.memref_slice %arg5[%multiple_of3A_20, %dma_start3A_45] : memref<2560x125xi32, #tpu.memory_space<hbm>> -> memref<8x125xi32, #tpu.memory_space<hbm>>
      tpu.enqueue_dma source(%dma_start3A_46 : memref<8x125xi32, #tpu.memory_space<hbm>>) target(%arg9 : memref<8x125xi32, #tpu.memory_space<vmem>>) target_semaphore(%run_scoped3A : memref<!tpu.dma_semaphore, #tpu.memory_space<semaphore_mem>>)
      %dma_wait3A = arith.constant 0 : i32
      %dma_wait3A_47 = tpu.memref_slice %arg5[%multiple_of3A_20, %dma_wait3A] : memref<2560x125xi32, #tpu.memory_space<hbm>> -> memref<8x125xi32, #tpu.memory_space<hbm>>
      %dma_wait3A_48 = arith.constant 0 : i32
      %dma_wait3A_49 = tpu.memref_slice %arg5[%multiple_of3A_20, %dma_wait3A_48] : memref<2560x125xi32, #tpu.memory_space<hbm>> -> memref<8x125xi32, #tpu.memory_space<hbm>>
      tpu.wait_dma2 semaphore(%run_scoped3A : memref<!tpu.dma_semaphore, #tpu.memory_space<semaphore_mem>>) src(%dma_wait3A_49 : memref<8x125xi32, #tpu.memory_space<hbm>>) dst(%arg9 : memref<8x125xi32, #tpu.memory_space<vmem>>)
      tpu.yield
    }) : () -> ()
    "tpu.region"() ({
      %run_scoped3A = tpu.sem_alloc : memref<!tpu.dma_semaphore, #tpu.memory_space<semaphore_mem>>
      %dma_start3A_43 = arith.constant 0 : i32
      %dma_start3A_44 = tpu.memref_slice %arg6[%multiple_of3A_20, %dma_start3A_43] : memref<2560x125xi32, #tpu.memory_space<hbm>> -> memref<8x125xi32, #tpu.memory_space<hbm>>
      %dma_start3A_45 = arith.constant 0 : i32
      %dma_start3A_46 = tpu.memref_slice %arg6[%multiple_of3A_20, %dma_start3A_45] : memref<2560x125xi32, #tpu.memory_space<hbm>> -> memref<8x125xi32, #tpu.memory_space<hbm>>
      tpu.enqueue_dma source(%dma_start3A_46 : memref<8x125xi32, #tpu.memory_space<hbm>>) target(%arg10 : memref<8x125xi32, #tpu.memory_space<vmem>>) target_semaphore(%run_scoped3A : memref<!tpu.dma_semaphore, #tpu.memory_space<semaphore_mem>>)
      %dma_wait3A = arith.constant 0 : i32
      %dma_wait3A_47 = tpu.memref_slice %arg6[%multiple_of3A_20, %dma_wait3A] : memref<2560x125xi32, #tpu.memory_space<hbm>> -> memref<8x125xi32, #tpu.memory_space<hbm>>
      %dma_wait3A_48 = arith.constant 0 : i32
      %dma_wait3A_49 = tpu.memref_slice %arg6[%multiple_of3A_20, %dma_wait3A_48] : memref<2560x125xi32, #tpu.memory_space<hbm>> -> memref<8x125xi32, #tpu.memory_space<hbm>>
      tpu.wait_dma2 semaphore(%run_scoped3A : memref<!tpu.dma_semaphore, #tpu.memory_space<semaphore_mem>>) src(%dma_wait3A_49 : memref<8x125xi32, #tpu.memory_space<hbm>>) dst(%arg10 : memref<8x125xi32, #tpu.memory_space<vmem>>)
      tpu.yield
    }) : () -> ()
    %mul3A_21 = arith.constant 16 : i32
    %mul3A_22 = arith.muli %multiple_of3A_15, %mul3A_21 : i32
    %multiple_of3A_23 = tpu.assume_multiple %mul3A_22, 16000 : i32
    %dma_start3A = tpu.memref_slice %arg4[%multiple_of3A_23] : memref<5120000xf32, #tpu.memory_space<hbm>> -> memref<16000xf32, #tpu.memory_space<hbm>>
    %dma_start3A_24 = tpu.memref_slice %arg4[%multiple_of3A_23] : memref<5120000xf32, #tpu.memory_space<hbm>> -> memref<16000xf32, #tpu.memory_space<hbm>>
    tpu.enqueue_dma source(%dma_start3A_24 : memref<16000xf32, #tpu.memory_space<hbm>>) target(%arg13 : memref<16000xf32, #tpu.memory_space<vmem>>) target_semaphore(%arg23 : memref<!tpu.dma_semaphore, #tpu.memory_space<semaphore_mem>>)
    %scan3A_25 = arith.constant 0 : i32
    %scan3A_26 = arith.constant 0 : i32
    %scan3A_27 = arith.constant 8 : i32
    %scan3A_28 = arith.addi %scan3A_26, %scan3A_27 : i32
    %scan3A_29 = arith.constant 1 : i32
    scf.for %scan3A_43 = %scan3A_26 to %scan3A_28 step %scan3A_29  : i32 {
      %mul3A_44 = arith.constant 125 : i32
      %mul3A_45 = arith.muli %scan3A_43, %mul3A_44 : i32
      %dma_start3A_46 = arith.constant 0 : i32
      %dma_start3A_47 = tpu.memref_slice %arg11[%mul3A_45, %dma_start3A_46] : memref<1000x16xf32, #tpu.memory_space<vmem>> -> memref<125x16xf32, #tpu.memory_space<vmem>>
      %dma_start3A_48 = arith.constant 0 : i32
      %dma_start3A_49 = tpu.memref_slice %arg9[%scan3A_43, %dma_start3A_48] : memref<8x125xi32, #tpu.memory_space<vmem>> -> memref<1x125xi32, #tpu.memory_space<vmem>>
      %dma_start3A_50 = tpu.memref_squeeze %dma_start3A_49 : memref<1x125xi32, #tpu.memory_space<vmem>> -> memref<125xi32, #tpu.memory_space<vmem>>
      %dma_start3A_51 = arith.constant 0 : i32
      %dma_start3A_52 = arith.constant 0 : i32
      %dma_start3A_53 = tpu.memref_slice %arg2[%dma_start3A_51, %dma_start3A_52] : memref<10000x16xf32, #tpu.memory_space<hbm>> -> memref<10000x16xf32, #tpu.memory_space<hbm>>
      tpu.enqueue_indirect_dma source(%dma_start3A_53 : memref<10000x16xf32, #tpu.memory_space<hbm>>) target(%dma_start3A_47 : memref<125x16xf32, #tpu.memory_space<vmem>>) offsets(%dma_start3A_50 : memref<125xi32, #tpu.memory_space<vmem>>) semaphore(%arg21 : memref<!tpu.dma_semaphore, #tpu.memory_space<semaphore_mem>>)
      %mul3A_54 = arith.constant 125 : i32
      %mul3A_55 = arith.muli %scan3A_43, %mul3A_54 : i32
      %dma_start3A_56 = arith.constant 0 : i32
      %dma_start3A_57 = tpu.memref_slice %arg12[%mul3A_55, %dma_start3A_56] : memref<1000x16xf32, #tpu.memory_space<vmem>> -> memref<125x16xf32, #tpu.memory_space<vmem>>
      %dma_start3A_58 = arith.constant 0 : i32
      %dma_start3A_59 = tpu.memref_slice %arg10[%scan3A_43, %dma_start3A_58] : memref<8x125xi32, #tpu.memory_space<vmem>> -> memref<1x125xi32, #tpu.memory_space<vmem>>
      %dma_start3A_60 = tpu.memref_squeeze %dma_start3A_59 : memref<1x125xi32, #tpu.memory_space<vmem>> -> memref<125xi32, #tpu.memory_space<vmem>>
      %dma_start3A_61 = arith.constant 0 : i32
      %dma_start3A_62 = arith.constant 0 : i32
      %dma_start3A_63 = tpu.memref_slice %arg3[%dma_start3A_61, %dma_start3A_62] : memref<10000x16xf32, #tpu.memory_space<hbm>> -> memref<10000x16xf32, #tpu.memory_space<hbm>>
      tpu.enqueue_indirect_dma source(%dma_start3A_63 : memref<10000x16xf32, #tpu.memory_space<hbm>>) target(%dma_start3A_57 : memref<125x16xf32, #tpu.memory_space<vmem>>) offsets(%dma_start3A_60 : memref<125xi32, #tpu.memory_space<vmem>>) semaphore(%arg22 : memref<!tpu.dma_semaphore, #tpu.memory_space<semaphore_mem>>)
    }
    %scan3A_30 = arith.constant 8 : i32
    %scan3A_31 = arith.constant 0 : i32
    %scan3A_32 = arith.constant 0 : i32
    %scan3A_33 = arith.constant 5 : i32
    %scan3A_34 = arith.addi %scan3A_32, %scan3A_33 : i32
    %scan3A_35 = arith.constant 1 : i32
    scf.for %scan3A_43 = %scan3A_32 to %scan3A_34 step %scan3A_35  : i32 {
      %mul3A_44 = arith.constant 2 : i32
      %mul3A_45 = arith.muli %scan3A_43, %mul3A_44 : i32
      %add3A_46 = arith.constant 1 : i32
      %add3A_47 = arith.addi %mul3A_45, %add3A_46 : i32
      %mul3A_48 = arith.constant 10000 : i32
      %mul3A_49 = arith.muli %add3A, %mul3A_48 : i32
      %mul3A_50 = arith.constant 1000 : i32
      %mul3A_51 = arith.muli %add3A_47, %mul3A_50 : i32
      %add3A_52 = arith.addi %mul3A_49, %mul3A_51 : i32
      %multiple_of3A_53 = tpu.assume_multiple %add3A_52, 1000 : i32
      %mul3A_54 = arith.constant 80 : i32
      %mul3A_55 = arith.muli %add3A, %mul3A_54 : i32
      %mul3A_56 = arith.constant 8 : i32
      %mul3A_57 = arith.muli %add3A_47, %mul3A_56 : i32
      %add3A_58 = arith.addi %mul3A_55, %mul3A_57 : i32
      %multiple_of3A_59 = tpu.assume_multiple %add3A_58, 8 : i32
      "tpu.region"() ({
        %run_scoped3A = tpu.sem_alloc : memref<!tpu.dma_semaphore, #tpu.memory_space<semaphore_mem>>
        %dma_start3A_174 = arith.constant 0 : i32
        %dma_start3A_175 = tpu.memref_slice %arg5[%multiple_of3A_59, %dma_start3A_174] : memref<2560x125xi32, #tpu.memory_space<hbm>> -> memref<8x125xi32, #tpu.memory_space<hbm>>
        %dma_start3A_176 = arith.constant 0 : i32
        %dma_start3A_177 = tpu.memref_slice %arg5[%multiple_of3A_59, %dma_start3A_176] : memref<2560x125xi32, #tpu.memory_space<hbm>> -> memref<8x125xi32, #tpu.memory_space<hbm>>
        tpu.enqueue_dma source(%dma_start3A_177 : memref<8x125xi32, #tpu.memory_space<hbm>>) target(%arg14 : memref<8x125xi32, #tpu.memory_space<vmem>>) target_semaphore(%run_scoped3A : memref<!tpu.dma_semaphore, #tpu.memory_space<semaphore_mem>>)
        %dma_wait3A_178 = arith.constant 0 : i32
        %dma_wait3A_179 = tpu.memref_slice %arg5[%multiple_of3A_59, %dma_wait3A_178] : memref<2560x125xi32, #tpu.memory_space<hbm>> -> memref<8x125xi32, #tpu.memory_space<hbm>>
        %dma_wait3A_180 = arith.constant 0 : i32
        %dma_wait3A_181 = tpu.memref_slice %arg5[%multiple_of3A_59, %dma_wait3A_180] : memref<2560x125xi32, #tpu.memory_space<hbm>> -> memref<8x125xi32, #tpu.memory_space<hbm>>
        tpu.wait_dma2 semaphore(%run_scoped3A : memref<!tpu.dma_semaphore, #tpu.memory_space<semaphore_mem>>) src(%dma_wait3A_181 : memref<8x125xi32, #tpu.memory_space<hbm>>) dst(%arg14 : memref<8x125xi32, #tpu.memory_space<vmem>>)
        tpu.yield
      }) : () -> ()
      "tpu.region"() ({
        %run_scoped3A = tpu.sem_alloc : memref<!tpu.dma_semaphore, #tpu.memory_space<semaphore_mem>>
        %dma_start3A_174 = arith.constant 0 : i32
        %dma_start3A_175 = tpu.memref_slice %arg6[%multiple_of3A_59, %dma_start3A_174] : memref<2560x125xi32, #tpu.memory_space<hbm>> -> memref<8x125xi32, #tpu.memory_space<hbm>>
        %dma_start3A_176 = arith.constant 0 : i32
        %dma_start3A_177 = tpu.memref_slice %arg6[%multiple_of3A_59, %dma_start3A_176] : memref<2560x125xi32, #tpu.memory_space<hbm>> -> memref<8x125xi32, #tpu.memory_space<hbm>>
        tpu.enqueue_dma source(%dma_start3A_177 : memref<8x125xi32, #tpu.memory_space<hbm>>) target(%arg15 : memref<8x125xi32, #tpu.memory_space<vmem>>) target_semaphore(%run_scoped3A : memref<!tpu.dma_semaphore, #tpu.memory_space<semaphore_mem>>)
        %dma_wait3A_178 = arith.constant 0 : i32
        %dma_wait3A_179 = tpu.memref_slice %arg6[%multiple_of3A_59, %dma_wait3A_178] : memref<2560x125xi32, #tpu.memory_space<hbm>> -> memref<8x125xi32, #tpu.memory_space<hbm>>
        %dma_wait3A_180 = arith.constant 0 : i32
        %dma_wait3A_181 = tpu.memref_slice %arg6[%multiple_of3A_59, %dma_wait3A_180] : memref<2560x125xi32, #tpu.memory_space<hbm>> -> memref<8x125xi32, #tpu.memory_space<hbm>>
        tpu.wait_dma2 semaphore(%run_scoped3A : memref<!tpu.dma_semaphore, #tpu.memory_space<semaphore_mem>>) src(%dma_wait3A_181 : memref<8x125xi32, #tpu.memory_space<hbm>>) dst(%arg15 : memref<8x125xi32, #tpu.memory_space<vmem>>)
        tpu.yield
      }) : () -> ()
      %mul3A_60 = arith.constant 16 : i32
      %mul3A_61 = arith.muli %multiple_of3A_53, %mul3A_60 : i32
      %multiple_of3A_62 = tpu.assume_multiple %mul3A_61, 16000 : i32
      %dma_start3A_63 = tpu.memref_slice %arg4[%multiple_of3A_62] : memref<5120000xf32, #tpu.memory_space<hbm>> -> memref<16000xf32, #tpu.memory_space<hbm>>
      %dma_start3A_64 = tpu.memref_slice %arg4[%multiple_of3A_62] : memref<5120000xf32, #tpu.memory_space<hbm>> -> memref<16000xf32, #tpu.memory_space<hbm>>
      tpu.enqueue_dma source(%dma_start3A_64 : memref<16000xf32, #tpu.memory_space<hbm>>) target(%arg18 : memref<16000xf32, #tpu.memory_space<vmem>>) target_semaphore(%arg26 : memref<!tpu.dma_semaphore, #tpu.memory_space<semaphore_mem>>)
      %scan3A_65 = arith.constant 0 : i32
      %scan3A_66 = arith.constant 0 : i32
      %scan3A_67 = arith.constant 8 : i32
      %scan3A_68 = arith.addi %scan3A_66, %scan3A_67 : i32
      %scan3A_69 = arith.constant 1 : i32
      scf.for %scan3A_174 = %scan3A_66 to %scan3A_68 step %scan3A_69  : i32 {
        %mul3A_175 = arith.constant 125 : i32
        %mul3A_176 = arith.muli %scan3A_174, %mul3A_175 : i32
        %dma_start3A_177 = arith.constant 0 : i32
        %dma_start3A_178 = tpu.memref_slice %arg16[%mul3A_176, %dma_start3A_177] : memref<1000x16xf32, #tpu.memory_space<vmem>> -> memref<125x16xf32, #tpu.memory_space<vmem>>
        %dma_start3A_179 = arith.constant 0 : i32
        %dma_start3A_180 = tpu.memref_slice %arg14[%scan3A_174, %dma_start3A_179] : memref<8x125xi32, #tpu.memory_space<vmem>> -> memref<1x125xi32, #tpu.memory_space<vmem>>
        %dma_start3A_181 = tpu.memref_squeeze %dma_start3A_180 : memref<1x125xi32, #tpu.memory_space<vmem>> -> memref<125xi32, #tpu.memory_space<vmem>>
        %dma_start3A_182 = arith.constant 0 : i32
        %dma_start3A_183 = arith.constant 0 : i32
        %dma_start3A_184 = tpu.memref_slice %arg2[%dma_start3A_182, %dma_start3A_183] : memref<10000x16xf32, #tpu.memory_space<hbm>> -> memref<10000x16xf32, #tpu.memory_space<hbm>>
        tpu.enqueue_indirect_dma source(%dma_start3A_184 : memref<10000x16xf32, #tpu.memory_space<hbm>>) target(%dma_start3A_178 : memref<125x16xf32, #tpu.memory_space<vmem>>) offsets(%dma_start3A_181 : memref<125xi32, #tpu.memory_space<vmem>>) semaphore(%arg24 : memref<!tpu.dma_semaphore, #tpu.memory_space<semaphore_mem>>)
        %mul3A_185 = arith.constant 125 : i32
        %mul3A_186 = arith.muli %scan3A_174, %mul3A_185 : i32
        %dma_start3A_187 = arith.constant 0 : i32
        %dma_start3A_188 = tpu.memref_slice %arg17[%mul3A_186, %dma_start3A_187] : memref<1000x16xf32, #tpu.memory_space<vmem>> -> memref<125x16xf32, #tpu.memory_space<vmem>>
        %dma_start3A_189 = arith.constant 0 : i32
        %dma_start3A_190 = tpu.memref_slice %arg15[%scan3A_174, %dma_start3A_189] : memref<8x125xi32, #tpu.memory_space<vmem>> -> memref<1x125xi32, #tpu.memory_space<vmem>>
        %dma_start3A_191 = tpu.memref_squeeze %dma_start3A_190 : memref<1x125xi32, #tpu.memory_space<vmem>> -> memref<125xi32, #tpu.memory_space<vmem>>
        %dma_start3A_192 = arith.constant 0 : i32
        %dma_start3A_193 = arith.constant 0 : i32
        %dma_start3A_194 = tpu.memref_slice %arg3[%dma_start3A_192, %dma_start3A_193] : memref<10000x16xf32, #tpu.memory_space<hbm>> -> memref<10000x16xf32, #tpu.memory_space<hbm>>
        tpu.enqueue_indirect_dma source(%dma_start3A_194 : memref<10000x16xf32, #tpu.memory_space<hbm>>) target(%dma_start3A_188 : memref<125x16xf32, #tpu.memory_space<vmem>>) offsets(%dma_start3A_191 : memref<125xi32, #tpu.memory_space<vmem>>) semaphore(%arg25 : memref<!tpu.dma_semaphore, #tpu.memory_space<semaphore_mem>>)
      }
      %scan3A_70 = arith.constant 8 : i32
      %mul3A_71 = arith.constant 10000 : i32
      %mul3A_72 = arith.muli %add3A, %mul3A_71 : i32
      %mul3A_73 = arith.constant 1000 : i32
      %mul3A_74 = arith.muli %mul3A_45, %mul3A_73 : i32
      %add3A_75 = arith.addi %mul3A_72, %mul3A_74 : i32
      %multiple_of3A_76 = tpu.assume_multiple %add3A_75, 1000 : i32
      %dma_wait3A = arith.constant 0 : i32
      %dma_wait3A_77 = tpu.memref_slice %arg4[%dma_wait3A] : memref<5120000xf32, #tpu.memory_space<hbm>> -> memref<16000xf32, #tpu.memory_space<hbm>>
      %dma_wait3A_78 = arith.constant 0 : i32
      %dma_wait3A_79 = tpu.memref_slice %arg4[%dma_wait3A_78] : memref<5120000xf32, #tpu.memory_space<hbm>> -> memref<16000xf32, #tpu.memory_space<hbm>>
      tpu.wait_dma2 semaphore(%arg23 : memref<!tpu.dma_semaphore, #tpu.memory_space<semaphore_mem>>) src(%dma_wait3A_79 : memref<16000xf32, #tpu.memory_space<hbm>>) dst(%arg13 : memref<16000xf32, #tpu.memory_space<vmem>>)
      %dma_wait3A_80 = arith.constant 0 : i32
      %dma_wait3A_81 = arith.constant 0 : i32
      %dma_wait3A_82 = tpu.memref_slice %arg7[%dma_wait3A_80, %dma_wait3A_81] : memref<320000x128xf32, #tpu.memory_space<hbm>> -> memref<1000x16xf32, #tpu.memory_space<hbm>>
      %dma_wait3A_83 = arith.constant 0 : i32
      %dma_wait3A_84 = arith.constant 0 : i32
      %dma_wait3A_85 = tpu.memref_slice %arg7[%dma_wait3A_83, %dma_wait3A_84] : memref<320000x128xf32, #tpu.memory_space<hbm>> -> memref<1000x16xf32, #tpu.memory_space<hbm>>
      tpu.wait_dma2 semaphore(%arg21 : memref<!tpu.dma_semaphore, #tpu.memory_space<semaphore_mem>>) src(%dma_wait3A_85 : memref<1000x16xf32, #tpu.memory_space<hbm>>) dst(%arg11 : memref<1000x16xf32, #tpu.memory_space<vmem>>)
      %dma_wait3A_86 = arith.constant 0 : i32
      %dma_wait3A_87 = arith.constant 0 : i32
      %dma_wait3A_88 = tpu.memref_slice %arg7[%dma_wait3A_86, %dma_wait3A_87] : memref<320000x128xf32, #tpu.memory_space<hbm>> -> memref<1000x16xf32, #tpu.memory_space<hbm>>
      %dma_wait3A_89 = arith.constant 0 : i32
      %dma_wait3A_90 = arith.constant 0 : i32
      %dma_wait3A_91 = tpu.memref_slice %arg7[%dma_wait3A_89, %dma_wait3A_90] : memref<320000x128xf32, #tpu.memory_space<hbm>> -> memref<1000x16xf32, #tpu.memory_space<hbm>>
      tpu.wait_dma2 semaphore(%arg22 : memref<!tpu.dma_semaphore, #tpu.memory_space<semaphore_mem>>) src(%dma_wait3A_91 : memref<1000x16xf32, #tpu.memory_space<hbm>>) dst(%arg12 : memref<1000x16xf32, #tpu.memory_space<vmem>>)
      %scan3A_92 = arith.constant 0 : i32
      %scan3A_93 = arith.constant 0 : i32
      %scan3A_94 = arith.constant 1000 : i32
      %scan3A_95 = arith.addi %scan3A_93, %scan3A_94 : i32
      %scan3A_96 = arith.constant 1 : i32
      scf.for %scan3A_174 = %scan3A_93 to %scan3A_95 step %scan3A_96  : i32 {
        %mul3A_175 = arith.constant 16 : i32
        %mul3A_176 = arith.muli %scan3A_174, %mul3A_175 : i32
        %get3A = arith.index_cast %mul3A_176 : i32 to index
        %get3A_177 = tpu.vector_load %arg13[%get3A] {strides = array<i32>} : memref<16000xf32, #tpu.memory_space<vmem>>, vector<16xf32>,
        %get3A_178 = vector.shape_cast %get3A_177 : vector<16xf32> to vector<16xf32>
        %get3A_179 = arith.index_cast %scan3A_174 : i32 to index
        %get3A_180 = arith.constant 0 : index
        %get3A_181 = tpu.vector_load %arg11[%get3A_179, %get3A_180] {strides = array<i32>} : memref<1000x16xf32, #tpu.memory_space<vmem>>, vector<1x16xf32>,
        %get3A_182 = vector.shape_cast %get3A_181 : vector<1x16xf32> to vector<16xf32>
        %add3A_183 = arith.addf %get3A_178, %get3A_182 : vector<16xf32>
        %get3A_184 = arith.index_cast %scan3A_174 : i32 to index
        %get3A_185 = arith.constant 0 : index
        %get3A_186 = tpu.vector_load %arg12[%get3A_184, %get3A_185] {strides = array<i32>} : memref<1000x16xf32, #tpu.memory_space<vmem>>, vector<1x16xf32>,
        %get3A_187 = vector.shape_cast %get3A_186 : vector<1x16xf32> to vector<16xf32>
        %add3A_188 = arith.addf %add3A_183, %get3A_187 : vector<16xf32>
        %max3A = arith.constant 0.000000e+00 : f32
        %max3A_189 = vector.broadcast %max3A : f32 to vector<16xf32>
        %max3A_190 = arith.maximumf %add3A_188, %max3A_189 : vector<16xf32>
        %swap3A = arith.index_cast %scan3A_174 : i32 to index
        %swap3A_191 = arith.constant 0 : index
        %swap3A_192 = tpu.vector_load %arg19[%swap3A, %swap3A_191] {strides = array<i32>} : memref<1000x16xf32, #tpu.memory_space<vmem>>, vector<1x16xf32>,
        %swap3A_193 = vector.shape_cast %swap3A_192 : vector<1x16xf32> to vector<16xf32>
        %swap3A_194 = vector.shape_cast %max3A_190 : vector<16xf32> to vector<1x16xf32>
        tpu.vector_store %arg19[%swap3A, %swap3A_191], %swap3A_194 {strides = array<i32>} : memref<1000x16xf32, #tpu.memory_space<vmem>>, vector<1x16xf32>,
      }
      %scan3A_97 = arith.constant 1000 : i32
      %dma_start3A_98 = arith.constant 0 : i32
      %dma_start3A_99 = tpu.memref_slice %arg7[%multiple_of3A_76, %dma_start3A_98] : memref<320000x128xf32, #tpu.memory_space<hbm>> -> memref<1000x16xf32, #tpu.memory_space<hbm>>
      %dma_start3A_100 = arith.constant 0 : i32
      %dma_start3A_101 = tpu.memref_slice %arg7[%multiple_of3A_76, %dma_start3A_100] : memref<320000x128xf32, #tpu.memory_space<hbm>> -> memref<1000x16xf32, #tpu.memory_space<hbm>>
      tpu.enqueue_dma source(%arg19 : memref<1000x16xf32, #tpu.memory_space<vmem>>) target(%dma_start3A_101 : memref<1000x16xf32, #tpu.memory_space<hbm>>) target_semaphore(%arg27 : memref<!tpu.dma_semaphore, #tpu.memory_space<semaphore_mem>>)
      %scan3A_102 = arith.constant 0 : i32
      %scan3A_103 = arith.constant 0 : i32
      %scan3A_104 = arith.constant 8 : i32
      %scan3A_105 = arith.addi %scan3A_103, %scan3A_104 : i32
      %scan3A_106 = arith.constant 1 : i32
      scf.for %scan3A_174 = %scan3A_103 to %scan3A_105 step %scan3A_106  : i32 {
        %mul3A_175 = arith.constant 125 : i32
        %mul3A_176 = arith.muli %scan3A_174, %mul3A_175 : i32
        %dma_start3A_177 = arith.constant 0 : i32
        %dma_start3A_178 = tpu.memref_slice %arg19[%mul3A_176, %dma_start3A_177] : memref<1000x16xf32, #tpu.memory_space<vmem>> -> memref<125x16xf32, #tpu.memory_space<vmem>>
        %dma_start3A_179 = arith.constant 0 : i32
        %dma_start3A_180 = tpu.memref_slice %arg10[%scan3A_174, %dma_start3A_179] : memref<8x125xi32, #tpu.memory_space<vmem>> -> memref<1x125xi32, #tpu.memory_space<vmem>>
        %dma_start3A_181 = tpu.memref_squeeze %dma_start3A_180 : memref<1x125xi32, #tpu.memory_space<vmem>> -> memref<125xi32, #tpu.memory_space<vmem>>
        %dma_start3A_182 = arith.constant 0 : i32
        %dma_start3A_183 = arith.constant 0 : i32
        %dma_start3A_184 = tpu.memref_slice %arg20[%dma_start3A_182, %dma_start3A_183] : memref<10000x16xf32, #tpu.memory_space<vmem_shared>> -> memref<10000x16xf32, #tpu.memory_space<vmem_shared>>
        tpu.enqueue_indirect_dma source(%dma_start3A_178 : memref<125x16xf32, #tpu.memory_space<vmem>>) target(%dma_start3A_184 : memref<10000x16xf32, #tpu.memory_space<vmem_shared>>) offsets(%dma_start3A_181 : memref<125xi32, #tpu.memory_space<vmem>>) semaphore(%arg28 : memref<!tpu.dma_semaphore, #tpu.memory_space<semaphore_mem>>) {add = true}
      }
      %scan3A_107 = arith.constant 8 : i32
      %dma_wait3A_108 = arith.constant 0 : i32
      %dma_wait3A_109 = tpu.memref_slice %arg7[%multiple_of3A_76, %dma_wait3A_108] : memref<320000x128xf32, #tpu.memory_space<hbm>> -> memref<1000x16xf32, #tpu.memory_space<hbm>>
      %dma_wait3A_110 = arith.constant 0 : i32
      %dma_wait3A_111 = tpu.memref_slice %arg7[%multiple_of3A_76, %dma_wait3A_110] : memref<320000x128xf32, #tpu.memory_space<hbm>> -> memref<1000x16xf32, #tpu.memory_space<hbm>>
      tpu.wait_dma2 semaphore(%arg27 : memref<!tpu.dma_semaphore, #tpu.memory_space<semaphore_mem>>) src(%arg19 : memref<1000x16xf32, #tpu.memory_space<vmem>>) dst(%dma_wait3A_111 : memref<1000x16xf32, #tpu.memory_space<hbm>>)
      %dma_wait3A_112 = arith.constant 0 : i32
      %dma_wait3A_113 = arith.constant 0 : i32
      %dma_wait3A_114 = tpu.memref_slice %arg7[%dma_wait3A_112, %dma_wait3A_113] : memref<320000x128xf32, #tpu.memory_space<hbm>> -> memref<1000x16xf32, #tpu.memory_space<hbm>>
      %dma_wait3A_115 = arith.constant 0 : i32
      %dma_wait3A_116 = arith.constant 0 : i32
      %dma_wait3A_117 = tpu.memref_slice %arg7[%dma_wait3A_115, %dma_wait3A_116] : memref<320000x128xf32, #tpu.memory_space<hbm>> -> memref<1000x16xf32, #tpu.memory_space<hbm>>
      tpu.wait_dma2 semaphore(%arg28 : memref<!tpu.dma_semaphore, #tpu.memory_space<semaphore_mem>>) src(%dma_wait3A_117 : memref<1000x16xf32, #tpu.memory_space<hbm>>) dst(%arg19 : memref<1000x16xf32, #tpu.memory_space<vmem>>)
      %add3A_118 = arith.constant 2 : i32
      %add3A_119 = arith.addi %mul3A_45, %add3A_118 : i32
      %lt3A = arith.constant 10 : i32
      %lt3A_120 = arith.cmpi slt, %add3A_119, %lt3A : i32
      %convert_element_type3A_121 = arith.extui %lt3A_120 : i1 to i32
      %cond3A_122 = arith.constant 0 : i32
      %cond3A_123 = arith.cmpi ne, %convert_element_type3A_121, %cond3A_122 : i32
      scf.if %cond3A_123 {
        %add3A_174 = arith.constant 2 : i32
        %add3A_175 = arith.addi %mul3A_45, %add3A_174 : i32
        %mul3A_176 = arith.constant 10000 : i32
        %mul3A_177 = arith.muli %add3A, %mul3A_176 : i32
        %mul3A_178 = arith.constant 1000 : i32
        %mul3A_179 = arith.muli %add3A_175, %mul3A_178 : i32
        %add3A_180 = arith.addi %mul3A_177, %mul3A_179 : i32
        %multiple_of3A_181 = tpu.assume_multiple %add3A_180, 1000 : i32
        %mul3A_182 = arith.constant 80 : i32
        %mul3A_183 = arith.muli %add3A, %mul3A_182 : i32
        %mul3A_184 = arith.constant 8 : i32
        %mul3A_185 = arith.muli %add3A_175, %mul3A_184 : i32
        %add3A_186 = arith.addi %mul3A_183, %mul3A_185 : i32
        %multiple_of3A_187 = tpu.assume_multiple %add3A_186, 8 : i32
        "tpu.region"() ({
          %run_scoped3A = tpu.sem_alloc : memref<!tpu.dma_semaphore, #tpu.memory_space<semaphore_mem>>
          %dma_start3A_199 = arith.constant 0 : i32
          %dma_start3A_200 = tpu.memref_slice %arg5[%multiple_of3A_187, %dma_start3A_199] : memref<2560x125xi32, #tpu.memory_space<hbm>> -> memref<8x125xi32, #tpu.memory_space<hbm>>
          %dma_start3A_201 = arith.constant 0 : i32
          %dma_start3A_202 = tpu.memref_slice %arg5[%multiple_of3A_187, %dma_start3A_201] : memref<2560x125xi32, #tpu.memory_space<hbm>> -> memref<8x125xi32, #tpu.memory_space<hbm>>
          tpu.enqueue_dma source(%dma_start3A_202 : memref<8x125xi32, #tpu.memory_space<hbm>>) target(%arg9 : memref<8x125xi32, #tpu.memory_space<vmem>>) target_semaphore(%run_scoped3A : memref<!tpu.dma_semaphore, #tpu.memory_space<semaphore_mem>>)
          %dma_wait3A_203 = arith.constant 0 : i32
          %dma_wait3A_204 = tpu.memref_slice %arg5[%multiple_of3A_187, %dma_wait3A_203] : memref<2560x125xi32, #tpu.memory_space<hbm>> -> memref<8x125xi32, #tpu.memory_space<hbm>>
          %dma_wait3A_205 = arith.constant 0 : i32
          %dma_wait3A_206 = tpu.memref_slice %arg5[%multiple_of3A_187, %dma_wait3A_205] : memref<2560x125xi32, #tpu.memory_space<hbm>> -> memref<8x125xi32, #tpu.memory_space<hbm>>
          tpu.wait_dma2 semaphore(%run_scoped3A : memref<!tpu.dma_semaphore, #tpu.memory_space<semaphore_mem>>) src(%dma_wait3A_206 : memref<8x125xi32, #tpu.memory_space<hbm>>) dst(%arg9 : memref<8x125xi32, #tpu.memory_space<vmem>>)
          tpu.yield
        }) : () -> ()
        "tpu.region"() ({
          %run_scoped3A = tpu.sem_alloc : memref<!tpu.dma_semaphore, #tpu.memory_space<semaphore_mem>>
          %dma_start3A_199 = arith.constant 0 : i32
          %dma_start3A_200 = tpu.memref_slice %arg6[%multiple_of3A_187, %dma_start3A_199] : memref<2560x125xi32, #tpu.memory_space<hbm>> -> memref<8x125xi32, #tpu.memory_space<hbm>>
          %dma_start3A_201 = arith.constant 0 : i32
          %dma_start3A_202 = tpu.memref_slice %arg6[%multiple_of3A_187, %dma_start3A_201] : memref<2560x125xi32, #tpu.memory_space<hbm>> -> memref<8x125xi32, #tpu.memory_space<hbm>>
          tpu.enqueue_dma source(%dma_start3A_202 : memref<8x125xi32, #tpu.memory_space<hbm>>) target(%arg10 : memref<8x125xi32, #tpu.memory_space<vmem>>) target_semaphore(%run_scoped3A : memref<!tpu.dma_semaphore, #tpu.memory_space<semaphore_mem>>)
          %dma_wait3A_203 = arith.constant 0 : i32
          %dma_wait3A_204 = tpu.memref_slice %arg6[%multiple_of3A_187, %dma_wait3A_203] : memref<2560x125xi32, #tpu.memory_space<hbm>> -> memref<8x125xi32, #tpu.memory_space<hbm>>
          %dma_wait3A_205 = arith.constant 0 : i32
          %dma_wait3A_206 = tpu.memref_slice %arg6[%multiple_of3A_187, %dma_wait3A_205] : memref<2560x125xi32, #tpu.memory_space<hbm>> -> memref<8x125xi32, #tpu.memory_space<hbm>>
          tpu.wait_dma2 semaphore(%run_scoped3A : memref<!tpu.dma_semaphore, #tpu.memory_space<semaphore_mem>>) src(%dma_wait3A_206 : memref<8x125xi32, #tpu.memory_space<hbm>>) dst(%arg10 : memref<8x125xi32, #tpu.memory_space<vmem>>)
          tpu.yield
        }) : () -> ()
        %mul3A_188 = arith.constant 16 : i32
        %mul3A_189 = arith.muli %multiple_of3A_181, %mul3A_188 : i32
        %multiple_of3A_190 = tpu.assume_multiple %mul3A_189, 16000 : i32
        %dma_start3A_191 = tpu.memref_slice %arg4[%multiple_of3A_190] : memref<5120000xf32, #tpu.memory_space<hbm>> -> memref<16000xf32, #tpu.memory_space<hbm>>
        %dma_start3A_192 = tpu.memref_slice %arg4[%multiple_of3A_190] : memref<5120000xf32, #tpu.memory_space<hbm>> -> memref<16000xf32, #tpu.memory_space<hbm>>
        tpu.enqueue_dma source(%dma_start3A_192 : memref<16000xf32, #tpu.memory_space<hbm>>) target(%arg13 : memref<16000xf32, #tpu.memory_space<vmem>>) target_semaphore(%arg23 : memref<!tpu.dma_semaphore, #tpu.memory_space<semaphore_mem>>)
        %scan3A_193 = arith.constant 0 : i32
        %scan3A_194 = arith.constant 0 : i32
        %scan3A_195 = arith.constant 8 : i32
        %scan3A_196 = arith.addi %scan3A_194, %scan3A_195 : i32
        %scan3A_197 = arith.constant 1 : i32
        scf.for %scan3A_199 = %scan3A_194 to %scan3A_196 step %scan3A_197  : i32 {
          %mul3A_200 = arith.constant 125 : i32
          %mul3A_201 = arith.muli %scan3A_199, %mul3A_200 : i32
          %dma_start3A_202 = arith.constant 0 : i32
          %dma_start3A_203 = tpu.memref_slice %arg11[%mul3A_201, %dma_start3A_202] : memref<1000x16xf32, #tpu.memory_space<vmem>> -> memref<125x16xf32, #tpu.memory_space<vmem>>
          %dma_start3A_204 = arith.constant 0 : i32
          %dma_start3A_205 = tpu.memref_slice %arg9[%scan3A_199, %dma_start3A_204] : memref<8x125xi32, #tpu.memory_space<vmem>> -> memref<1x125xi32, #tpu.memory_space<vmem>>
          %dma_start3A_206 = tpu.memref_squeeze %dma_start3A_205 : memref<1x125xi32, #tpu.memory_space<vmem>> -> memref<125xi32, #tpu.memory_space<vmem>>
          %dma_start3A_207 = arith.constant 0 : i32
          %dma_start3A_208 = arith.constant 0 : i32
          %dma_start3A_209 = tpu.memref_slice %arg2[%dma_start3A_207, %dma_start3A_208] : memref<10000x16xf32, #tpu.memory_space<hbm>> -> memref<10000x16xf32, #tpu.memory_space<hbm>>
          tpu.enqueue_indirect_dma source(%dma_start3A_209 : memref<10000x16xf32, #tpu.memory_space<hbm>>) target(%dma_start3A_203 : memref<125x16xf32, #tpu.memory_space<vmem>>) offsets(%dma_start3A_206 : memref<125xi32, #tpu.memory_space<vmem>>) semaphore(%arg21 : memref<!tpu.dma_semaphore, #tpu.memory_space<semaphore_mem>>)
          %mul3A_210 = arith.constant 125 : i32
          %mul3A_211 = arith.muli %scan3A_199, %mul3A_210 : i32
          %dma_start3A_212 = arith.constant 0 : i32
          %dma_start3A_213 = tpu.memref_slice %arg12[%mul3A_211, %dma_start3A_212] : memref<1000x16xf32, #tpu.memory_space<vmem>> -> memref<125x16xf32, #tpu.memory_space<vmem>>
          %dma_start3A_214 = arith.constant 0 : i32
          %dma_start3A_215 = tpu.memref_slice %arg10[%scan3A_199, %dma_start3A_214] : memref<8x125xi32, #tpu.memory_space<vmem>> -> memref<1x125xi32, #tpu.memory_space<vmem>>
          %dma_start3A_216 = tpu.memref_squeeze %dma_start3A_215 : memref<1x125xi32, #tpu.memory_space<vmem>> -> memref<125xi32, #tpu.memory_space<vmem>>
          %dma_start3A_217 = arith.constant 0 : i32
          %dma_start3A_218 = arith.constant 0 : i32
          %dma_start3A_219 = tpu.memref_slice %arg3[%dma_start3A_217, %dma_start3A_218] : memref<10000x16xf32, #tpu.memory_space<hbm>> -> memref<10000x16xf32, #tpu.memory_space<hbm>>
          tpu.enqueue_indirect_dma source(%dma_start3A_219 : memref<10000x16xf32, #tpu.memory_space<hbm>>) target(%dma_start3A_213 : memref<125x16xf32, #tpu.memory_space<vmem>>) offsets(%dma_start3A_216 : memref<125xi32, #tpu.memory_space<vmem>>) semaphore(%arg22 : memref<!tpu.dma_semaphore, #tpu.memory_space<semaphore_mem>>)
        }
        %scan3A_198 = arith.constant 8 : i32
      } else {
      }
      %add3A_124 = arith.constant 1 : i32
      %add3A_125 = arith.addi %mul3A_45, %add3A_124 : i32
      %mul3A_126 = arith.constant 10000 : i32
      %mul3A_127 = arith.muli %add3A, %mul3A_126 : i32
      %mul3A_128 = arith.constant 1000 : i32
      %mul3A_129 = arith.muli %add3A_125, %mul3A_128 : i32
      %add3A_130 = arith.addi %mul3A_127, %mul3A_129 : i32
      %multiple_of3A_131 = tpu.assume_multiple %add3A_130, 1000 : i32
      %dma_wait3A_132 = arith.constant 0 : i32
      %dma_wait3A_133 = tpu.memref_slice %arg4[%dma_wait3A_132] : memref<5120000xf32, #tpu.memory_space<hbm>> -> memref<16000xf32, #tpu.memory_space<hbm>>
      %dma_wait3A_134 = arith.constant 0 : i32
      %dma_wait3A_135 = tpu.memref_slice %arg4[%dma_wait3A_134] : memref<5120000xf32, #tpu.memory_space<hbm>> -> memref<16000xf32, #tpu.memory_space<hbm>>
      tpu.wait_dma2 semaphore(%arg26 : memref<!tpu.dma_semaphore, #tpu.memory_space<semaphore_mem>>) src(%dma_wait3A_135 : memref<16000xf32, #tpu.memory_space<hbm>>) dst(%arg18 : memref<16000xf32, #tpu.memory_space<vmem>>)
      %dma_wait3A_136 = arith.constant 0 : i32
      %dma_wait3A_137 = arith.constant 0 : i32
      %dma_wait3A_138 = tpu.memref_slice %arg7[%dma_wait3A_136, %dma_wait3A_137] : memref<320000x128xf32, #tpu.memory_space<hbm>> -> memref<1000x16xf32, #tpu.memory_space<hbm>>
      %dma_wait3A_139 = arith.constant 0 : i32
      %dma_wait3A_140 = arith.constant 0 : i32
      %dma_wait3A_141 = tpu.memref_slice %arg7[%dma_wait3A_139, %dma_wait3A_140] : memref<320000x128xf32, #tpu.memory_space<hbm>> -> memref<1000x16xf32, #tpu.memory_space<hbm>>
      tpu.wait_dma2 semaphore(%arg24 : memref<!tpu.dma_semaphore, #tpu.memory_space<semaphore_mem>>) src(%dma_wait3A_141 : memref<1000x16xf32, #tpu.memory_space<hbm>>) dst(%arg16 : memref<1000x16xf32, #tpu.memory_space<vmem>>)
      %dma_wait3A_142 = arith.constant 0 : i32
      %dma_wait3A_143 = arith.constant 0 : i32
      %dma_wait3A_144 = tpu.memref_slice %arg7[%dma_wait3A_142, %dma_wait3A_143] : memref<320000x128xf32, #tpu.memory_space<hbm>> -> memref<1000x16xf32, #tpu.memory_space<hbm>>
      %dma_wait3A_145 = arith.constant 0 : i32
      %dma_wait3A_146 = arith.constant 0 : i32
      %dma_wait3A_147 = tpu.memref_slice %arg7[%dma_wait3A_145, %dma_wait3A_146] : memref<320000x128xf32, #tpu.memory_space<hbm>> -> memref<1000x16xf32, #tpu.memory_space<hbm>>
      tpu.wait_dma2 semaphore(%arg25 : memref<!tpu.dma_semaphore, #tpu.memory_space<semaphore_mem>>) src(%dma_wait3A_147 : memref<1000x16xf32, #tpu.memory_space<hbm>>) dst(%arg17 : memref<1000x16xf32, #tpu.memory_space<vmem>>)
      %scan3A_148 = arith.constant 0 : i32
      %scan3A_149 = arith.constant 0 : i32
      %scan3A_150 = arith.constant 1000 : i32
      %scan3A_151 = arith.addi %scan3A_149, %scan3A_150 : i32
      %scan3A_152 = arith.constant 1 : i32
      scf.for %scan3A_174 = %scan3A_149 to %scan3A_151 step %scan3A_152  : i32 {
        %mul3A_175 = arith.constant 16 : i32
        %mul3A_176 = arith.muli %scan3A_174, %mul3A_175 : i32
        %get3A = arith.index_cast %mul3A_176 : i32 to index
        %get3A_177 = tpu.vector_load %arg18[%get3A] {strides = array<i32>} : memref<16000xf32, #tpu.memory_space<vmem>>, vector<16xf32>,
        %get3A_178 = vector.shape_cast %get3A_177 : vector<16xf32> to vector<16xf32>
        %get3A_179 = arith.index_cast %scan3A_174 : i32 to index
        %get3A_180 = arith.constant 0 : index
        %get3A_181 = tpu.vector_load %arg16[%get3A_179, %get3A_180] {strides = array<i32>} : memref<1000x16xf32, #tpu.memory_space<vmem>>, vector<1x16xf32>,
        %get3A_182 = vector.shape_cast %get3A_181 : vector<1x16xf32> to vector<16xf32>
        %add3A_183 = arith.addf %get3A_178, %get3A_182 : vector<16xf32>
        %get3A_184 = arith.index_cast %scan3A_174 : i32 to index
        %get3A_185 = arith.constant 0 : index
        %get3A_186 = tpu.vector_load %arg17[%get3A_184, %get3A_185] {strides = array<i32>} : memref<1000x16xf32, #tpu.memory_space<vmem>>, vector<1x16xf32>,
        %get3A_187 = vector.shape_cast %get3A_186 : vector<1x16xf32> to vector<16xf32>
        %add3A_188 = arith.addf %add3A_183, %get3A_187 : vector<16xf32>
        %max3A = arith.constant 0.000000e+00 : f32
        %max3A_189 = vector.broadcast %max3A : f32 to vector<16xf32>
        %max3A_190 = arith.maximumf %add3A_188, %max3A_189 : vector<16xf32>
        %swap3A = arith.index_cast %scan3A_174 : i32 to index
        %swap3A_191 = arith.constant 0 : index
        %swap3A_192 = tpu.vector_load %arg19[%swap3A, %swap3A_191] {strides = array<i32>} : memref<1000x16xf32, #tpu.memory_space<vmem>>, vector<1x16xf32>,
        %swap3A_193 = vector.shape_cast %swap3A_192 : vector<1x16xf32> to vector<16xf32>
        %swap3A_194 = vector.shape_cast %max3A_190 : vector<16xf32> to vector<1x16xf32>
        tpu.vector_store %arg19[%swap3A, %swap3A_191], %swap3A_194 {strides = array<i32>} : memref<1000x16xf32, #tpu.memory_space<vmem>>, vector<1x16xf32>,
      }
      %scan3A_153 = arith.constant 1000 : i32
      %dma_start3A_154 = arith.constant 0 : i32
      %dma_start3A_155 = tpu.memref_slice %arg7[%multiple_of3A_131, %dma_start3A_154] : memref<320000x128xf32, #tpu.memory_space<hbm>> -> memref<1000x16xf32, #tpu.memory_space<hbm>>
      %dma_start3A_156 = arith.constant 0 : i32
      %dma_start3A_157 = tpu.memref_slice %arg7[%multiple_of3A_131, %dma_start3A_156] : memref<320000x128xf32, #tpu.memory_space<hbm>> -> memref<1000x16xf32, #tpu.memory_space<hbm>>
      tpu.enqueue_dma source(%arg19 : memref<1000x16xf32, #tpu.memory_space<vmem>>) target(%dma_start3A_157 : memref<1000x16xf32, #tpu.memory_space<hbm>>) target_semaphore(%arg27 : memref<!tpu.dma_semaphore, #tpu.memory_space<semaphore_mem>>)
      %scan3A_158 = arith.constant 0 : i32
      %scan3A_159 = arith.constant 0 : i32
      %scan3A_160 = arith.constant 8 : i32
      %scan3A_161 = arith.addi %scan3A_159, %scan3A_160 : i32
      %scan3A_162 = arith.constant 1 : i32
      scf.for %scan3A_174 = %scan3A_159 to %scan3A_161 step %scan3A_162  : i32 {
        %mul3A_175 = arith.constant 125 : i32
        %mul3A_176 = arith.muli %scan3A_174, %mul3A_175 : i32
        %dma_start3A_177 = arith.constant 0 : i32
        %dma_start3A_178 = tpu.memref_slice %arg19[%mul3A_176, %dma_start3A_177] : memref<1000x16xf32, #tpu.memory_space<vmem>> -> memref<125x16xf32, #tpu.memory_space<vmem>>
        %dma_start3A_179 = arith.constant 0 : i32
        %dma_start3A_180 = tpu.memref_slice %arg15[%scan3A_174, %dma_start3A_179] : memref<8x125xi32, #tpu.memory_space<vmem>> -> memref<1x125xi32, #tpu.memory_space<vmem>>
        %dma_start3A_181 = tpu.memref_squeeze %dma_start3A_180 : memref<1x125xi32, #tpu.memory_space<vmem>> -> memref<125xi32, #tpu.memory_space<vmem>>
        %dma_start3A_182 = arith.constant 0 : i32
        %dma_start3A_183 = arith.constant 0 : i32
        %dma_start3A_184 = tpu.memref_slice %arg20[%dma_start3A_182, %dma_start3A_183] : memref<10000x16xf32, #tpu.memory_space<vmem_shared>> -> memref<10000x16xf32, #tpu.memory_space<vmem_shared>>
        tpu.enqueue_indirect_dma source(%dma_start3A_178 : memref<125x16xf32, #tpu.memory_space<vmem>>) target(%dma_start3A_184 : memref<10000x16xf32, #tpu.memory_space<vmem_shared>>) offsets(%dma_start3A_181 : memref<125xi32, #tpu.memory_space<vmem>>) semaphore(%arg28 : memref<!tpu.dma_semaphore, #tpu.memory_space<semaphore_mem>>) {add = true}
      }
      %scan3A_163 = arith.constant 8 : i32
      %dma_wait3A_164 = arith.constant 0 : i32
      %dma_wait3A_165 = tpu.memref_slice %arg7[%multiple_of3A_131, %dma_wait3A_164] : memref<320000x128xf32, #tpu.memory_space<hbm>> -> memref<1000x16xf32, #tpu.memory_space<hbm>>
      %dma_wait3A_166 = arith.constant 0 : i32
      %dma_wait3A_167 = tpu.memref_slice %arg7[%multiple_of3A_131, %dma_wait3A_166] : memref<320000x128xf32, #tpu.memory_space<hbm>> -> memref<1000x16xf32, #tpu.memory_space<hbm>>
      tpu.wait_dma2 semaphore(%arg27 : memref<!tpu.dma_semaphore, #tpu.memory_space<semaphore_mem>>) src(%arg19 : memref<1000x16xf32, #tpu.memory_space<vmem>>) dst(%dma_wait3A_167 : memref<1000x16xf32, #tpu.memory_space<hbm>>)
      %dma_wait3A_168 = arith.constant 0 : i32
      %dma_wait3A_169 = arith.constant 0 : i32
      %dma_wait3A_170 = tpu.memref_slice %arg7[%dma_wait3A_168, %dma_wait3A_169] : memref<320000x128xf32, #tpu.memory_space<hbm>> -> memref<1000x16xf32, #tpu.memory_space<hbm>>
      %dma_wait3A_171 = arith.constant 0 : i32
      %dma_wait3A_172 = arith.constant 0 : i32
      %dma_wait3A_173 = tpu.memref_slice %arg7[%dma_wait3A_171, %dma_wait3A_172] : memref<320000x128xf32, #tpu.memory_space<hbm>> -> memref<1000x16xf32, #tpu.memory_space<hbm>>
      tpu.wait_dma2 semaphore(%arg28 : memref<!tpu.dma_semaphore, #tpu.memory_space<semaphore_mem>>) src(%dma_wait3A_173 : memref<1000x16xf32, #tpu.memory_space<hbm>>) dst(%arg19 : memref<1000x16xf32, #tpu.memory_space<vmem>>)
    }
    %scan3A_36 = arith.constant 5 : i32
    %barrier3A_37 = arith.constant 0 : index
    tpu.barrier barrier_id(%barrier3A_37)
    "tpu.region"() ({
      %run_scoped3A = tpu.sem_alloc : memref<!tpu.dma_semaphore, #tpu.memory_space<semaphore_mem>>
      %dma_start3A_43 = arith.constant 0 : i32
      %dma_start3A_44 = arith.constant 0 : i32
      %dma_start3A_45 = tpu.memref_slice %arg11[%dma_start3A_43, %dma_start3A_44] : memref<1000x16xf32, #tpu.memory_space<vmem>> -> memref<624x16xf32, #tpu.memory_space<vmem>>
      %dma_start3A_46 = arith.constant 0 : i32
      %dma_start3A_47 = tpu.memref_slice %arg20[%multiple_of3A, %dma_start3A_46] : memref<10000x16xf32, #tpu.memory_space<vmem_shared>> -> memref<624x16xf32, #tpu.memory_space<vmem_shared>>
      %dma_start3A_48 = arith.constant 0 : i32
      %dma_start3A_49 = arith.constant 0 : i32
      %dma_start3A_50 = tpu.memref_slice %arg11[%dma_start3A_48, %dma_start3A_49] : memref<1000x16xf32, #tpu.memory_space<vmem>> -> memref<624x16xf32, #tpu.memory_space<vmem>>
      %dma_start3A_51 = arith.constant 0 : i32
      %dma_start3A_52 = tpu.memref_slice %arg20[%multiple_of3A, %dma_start3A_51] : memref<10000x16xf32, #tpu.memory_space<vmem_shared>> -> memref<624x16xf32, #tpu.memory_space<vmem_shared>>
      tpu.enqueue_dma source(%dma_start3A_52 : memref<624x16xf32, #tpu.memory_space<vmem_shared>>) target(%dma_start3A_50 : memref<624x16xf32, #tpu.memory_space<vmem>>) target_semaphore(%run_scoped3A : memref<!tpu.dma_semaphore, #tpu.memory_space<semaphore_mem>>)
      %dma_wait3A = arith.constant 0 : i32
      %dma_wait3A_53 = arith.constant 0 : i32
      %dma_wait3A_54 = tpu.memref_slice %arg11[%dma_wait3A, %dma_wait3A_53] : memref<1000x16xf32, #tpu.memory_space<vmem>> -> memref<624x16xf32, #tpu.memory_space<vmem>>
      %dma_wait3A_55 = arith.constant 0 : i32
      %dma_wait3A_56 = tpu.memref_slice %arg20[%multiple_of3A, %dma_wait3A_55] : memref<10000x16xf32, #tpu.memory_space<vmem_shared>> -> memref<624x16xf32, #tpu.memory_space<vmem_shared>>
      %dma_wait3A_57 = arith.constant 0 : i32
      %dma_wait3A_58 = arith.constant 0 : i32
      %dma_wait3A_59 = tpu.memref_slice %arg11[%dma_wait3A_57, %dma_wait3A_58] : memref<1000x16xf32, #tpu.memory_space<vmem>> -> memref<624x16xf32, #tpu.memory_space<vmem>>
      %dma_wait3A_60 = arith.constant 0 : i32
      %dma_wait3A_61 = tpu.memref_slice %arg20[%multiple_of3A, %dma_wait3A_60] : memref<10000x16xf32, #tpu.memory_space<vmem_shared>> -> memref<624x16xf32, #tpu.memory_space<vmem_shared>>
      tpu.wait_dma2 semaphore(%run_scoped3A : memref<!tpu.dma_semaphore, #tpu.memory_space<semaphore_mem>>) src(%dma_wait3A_61 : memref<624x16xf32, #tpu.memory_space<vmem_shared>>) dst(%dma_wait3A_59 : memref<624x16xf32, #tpu.memory_space<vmem>>)
      tpu.yield
    }) : () -> ()
    "tpu.region"() ({
      %run_scoped3A = tpu.sem_alloc : memref<!tpu.dma_semaphore, #tpu.memory_space<semaphore_mem>>
      %dma_start3A_43 = arith.constant 0 : i32
      %dma_start3A_44 = arith.constant 0 : i32
      %dma_start3A_45 = tpu.memref_slice %arg11[%dma_start3A_43, %dma_start3A_44] : memref<1000x16xf32, #tpu.memory_space<vmem>> -> memref<624x16xf32, #tpu.memory_space<vmem>>
      %dma_start3A_46 = arith.constant 0 : i32
      %dma_start3A_47 = tpu.memref_slice %arg8[%arg0, %multiple_of3A, %dma_start3A_46] : memref<2x10000x128xf32, #tpu.memory_space<hbm>> -> memref<1x624x16xf32, #tpu.memory_space<hbm>>
      %dma_start3A_48 = tpu.memref_squeeze %dma_start3A_47 : memref<1x624x16xf32, #tpu.memory_space<hbm>> -> memref<624x16xf32, #tpu.memory_space<hbm>>
      %dma_start3A_49 = arith.constant 0 : i32
      %dma_start3A_50 = tpu.memref_slice %arg8[%arg0, %multiple_of3A, %dma_start3A_49] : memref<2x10000x128xf32, #tpu.memory_space<hbm>> -> memref<1x624x16xf32, #tpu.memory_space<hbm>>
      %dma_start3A_51 = tpu.memref_squeeze %dma_start3A_50 : memref<1x624x16xf32, #tpu.memory_space<hbm>> -> memref<624x16xf32, #tpu.memory_space<hbm>>
      %dma_start3A_52 = arith.constant 0 : i32
      %dma_start3A_53 = arith.constant 0 : i32
      %dma_start3A_54 = tpu.memref_slice %arg11[%dma_start3A_52, %dma_start3A_53] : memref<1000x16xf32, #tpu.memory_space<vmem>> -> memref<624x16xf32, #tpu.memory_space<vmem>>
      tpu.enqueue_dma source(%dma_start3A_54 : memref<624x16xf32, #tpu.memory_space<vmem>>) target(%dma_start3A_51 : memref<624x16xf32, #tpu.memory_space<hbm>>) target_semaphore(%run_scoped3A : memref<!tpu.dma_semaphore, #tpu.memory_space<semaphore_mem>>)
      %dma_wait3A = arith.constant 0 : i32
      %dma_wait3A_55 = arith.constant 0 : i32
      %dma_wait3A_56 = tpu.memref_slice %arg11[%dma_wait3A, %dma_wait3A_55] : memref<1000x16xf32, #tpu.memory_space<vmem>> -> memref<624x16xf32, #tpu.memory_space<vmem>>
      %dma_wait3A_57 = arith.constant 0 : i32
      %dma_wait3A_58 = tpu.memref_slice %arg8[%arg0, %multiple_of3A, %dma_wait3A_57] : memref<2x10000x128xf32, #tpu.memory_space<hbm>> -> memref<1x624x16xf32, #tpu.memory_space<hbm>>
      %dma_wait3A_59 = tpu.memref_squeeze %dma_wait3A_58 : memref<1x624x16xf32, #tpu.memory_space<hbm>> -> memref<624x16xf32, #tpu.memory_space<hbm>>
      %dma_wait3A_60 = arith.constant 0 : i32
      %dma_wait3A_61 = tpu.memref_slice %arg8[%arg0, %multiple_of3A, %dma_wait3A_60] : memref<2x10000x128xf32, #tpu.memory_space<hbm>> -> memref<1x624x16xf32, #tpu.memory_space<hbm>>
      %dma_wait3A_62 = tpu.memref_squeeze %dma_wait3A_61 : memref<1x624x16xf32, #tpu.memory_space<hbm>> -> memref<624x16xf32, #tpu.memory_space<hbm>>
      %dma_wait3A_63 = arith.constant 0 : i32
      %dma_wait3A_64 = arith.constant 0 : i32
      %dma_wait3A_65 = tpu.memref_slice %arg11[%dma_wait3A_63, %dma_wait3A_64] : memref<1000x16xf32, #tpu.memory_space<vmem>> -> memref<624x16xf32, #tpu.memory_space<vmem>>
      tpu.wait_dma2 semaphore(%run_scoped3A : memref<!tpu.dma_semaphore, #tpu.memory_space<semaphore_mem>>) src(%dma_wait3A_65 : memref<624x16xf32, #tpu.memory_space<vmem>>) dst(%dma_wait3A_62 : memref<624x16xf32, #tpu.memory_space<hbm>>)
      tpu.yield
    }) : () -> ()
    %eq3A_38 = arith.constant 0 : i32
    %eq3A_39 = arith.cmpi eq, %arg1, %eq3A_38 : i32
    %convert_element_type3A_40 = arith.extui %eq3A_39 : i1 to i32
    %cond3A_41 = arith.constant 0 : i32
    %cond3A_42 = arith.cmpi ne, %convert_element_type3A_40, %cond3A_41 : i32
    scf.if %cond3A_42 {
      "tpu.region"() ({
        %run_scoped3A = tpu.sem_alloc : memref<!tpu.dma_semaphore, #tpu.memory_space<semaphore_mem>>
        %dma_start3A_43 = arith.constant 0 : i32
        %dma_start3A_44 = arith.constant 0 : i32
        %dma_start3A_45 = tpu.memref_slice %arg12[%dma_start3A_43, %dma_start3A_44] : memref<1000x16xf32, #tpu.memory_space<vmem>> -> memref<16x16xf32, #tpu.memory_space<vmem>>
        %dma_start3A_46 = arith.constant 9984 : i32
        %dma_start3A_47 = arith.constant 0 : i32
        %dma_start3A_48 = tpu.memref_slice %arg20[%dma_start3A_46, %dma_start3A_47] : memref<10000x16xf32, #tpu.memory_space<vmem_shared>> -> memref<16x16xf32, #tpu.memory_space<vmem_shared>>
        %dma_start3A_49 = arith.constant 0 : i32
        %dma_start3A_50 = arith.constant 0 : i32
        %dma_start3A_51 = tpu.memref_slice %arg12[%dma_start3A_49, %dma_start3A_50] : memref<1000x16xf32, #tpu.memory_space<vmem>> -> memref<16x16xf32, #tpu.memory_space<vmem>>
        %dma_start3A_52 = arith.constant 9984 : i32
        %dma_start3A_53 = arith.constant 0 : i32
        %dma_start3A_54 = tpu.memref_slice %arg20[%dma_start3A_52, %dma_start3A_53] : memref<10000x16xf32, #tpu.memory_space<vmem_shared>> -> memref<16x16xf32, #tpu.memory_space<vmem_shared>>
        tpu.enqueue_dma source(%dma_start3A_54 : memref<16x16xf32, #tpu.memory_space<vmem_shared>>) target(%dma_start3A_51 : memref<16x16xf32, #tpu.memory_space<vmem>>) target_semaphore(%run_scoped3A : memref<!tpu.dma_semaphore, #tpu.memory_space<semaphore_mem>>)
        %dma_wait3A = arith.constant 0 : i32
        %dma_wait3A_55 = arith.constant 0 : i32
        %dma_wait3A_56 = tpu.memref_slice %arg12[%dma_wait3A, %dma_wait3A_55] : memref<1000x16xf32, #tpu.memory_space<vmem>> -> memref<16x16xf32, #tpu.memory_space<vmem>>
        %dma_wait3A_57 = arith.constant 9984 : i32
        %dma_wait3A_58 = arith.constant 0 : i32
        %dma_wait3A_59 = tpu.memref_slice %arg20[%dma_wait3A_57, %dma_wait3A_58] : memref<10000x16xf32, #tpu.memory_space<vmem_shared>> -> memref<16x16xf32, #tpu.memory_space<vmem_shared>>
        %dma_wait3A_60 = arith.constant 0 : i32
        %dma_wait3A_61 = arith.constant 0 : i32
        %dma_wait3A_62 = tpu.memref_slice %arg12[%dma_wait3A_60, %dma_wait3A_61] : memref<1000x16xf32, #tpu.memory_space<vmem>> -> memref<16x16xf32, #tpu.memory_space<vmem>>
        %dma_wait3A_63 = arith.constant 9984 : i32
        %dma_wait3A_64 = arith.constant 0 : i32
        %dma_wait3A_65 = tpu.memref_slice %arg20[%dma_wait3A_63, %dma_wait3A_64] : memref<10000x16xf32, #tpu.memory_space<vmem_shared>> -> memref<16x16xf32, #tpu.memory_space<vmem_shared>>
        tpu.wait_dma2 semaphore(%run_scoped3A : memref<!tpu.dma_semaphore, #tpu.memory_space<semaphore_mem>>) src(%dma_wait3A_65 : memref<16x16xf32, #tpu.memory_space<vmem_shared>>) dst(%dma_wait3A_62 : memref<16x16xf32, #tpu.memory_space<vmem>>)
        tpu.yield
      }) : () -> ()
      "tpu.region"() ({
        %run_scoped3A = tpu.sem_alloc : memref<!tpu.dma_semaphore, #tpu.memory_space<semaphore_mem>>
        %dma_start3A_43 = arith.constant 0 : i32
        %dma_start3A_44 = arith.constant 0 : i32
        %dma_start3A_45 = tpu.memref_slice %arg12[%dma_start3A_43, %dma_start3A_44] : memref<1000x16xf32, #tpu.memory_space<vmem>> -> memref<16x16xf32, #tpu.memory_space<vmem>>
        %dma_start3A_46 = arith.constant 9984 : i32
        %dma_start3A_47 = arith.constant 0 : i32
        %dma_start3A_48 = tpu.memref_slice %arg8[%arg0, %dma_start3A_46, %dma_start3A_47] : memref<2x10000x128xf32, #tpu.memory_space<hbm>> -> memref<1x16x16xf32, #tpu.memory_space<hbm>>
        %dma_start3A_49 = tpu.memref_squeeze %dma_start3A_48 : memref<1x16x16xf32, #tpu.memory_space<hbm>> -> memref<16x16xf32, #tpu.memory_space<hbm>>
        %dma_start3A_50 = arith.constant 9984 : i32
        %dma_start3A_51 = arith.constant 0 : i32
        %dma_start3A_52 = tpu.memref_slice %arg8[%arg0, %dma_start3A_50, %dma_start3A_51] : memref<2x10000x128xf32, #tpu.memory_space<hbm>> -> memref<1x16x16xf32, #tpu.memory_space<hbm>>
        %dma_start3A_53 = tpu.memref_squeeze %dma_start3A_52 : memref<1x16x16xf32, #tpu.memory_space<hbm>> -> memref<16x16xf32, #tpu.memory_space<hbm>>
        %dma_start3A_54 = arith.constant 0 : i32
        %dma_start3A_55 = arith.constant 0 : i32
        %dma_start3A_56 = tpu.memref_slice %arg12[%dma_start3A_54, %dma_start3A_55] : memref<1000x16xf32, #tpu.memory_space<vmem>> -> memref<16x16xf32, #tpu.memory_space<vmem>>
        tpu.enqueue_dma source(%dma_start3A_56 : memref<16x16xf32, #tpu.memory_space<vmem>>) target(%dma_start3A_53 : memref<16x16xf32, #tpu.memory_space<hbm>>) target_semaphore(%run_scoped3A : memref<!tpu.dma_semaphore, #tpu.memory_space<semaphore_mem>>)
        %dma_wait3A = arith.constant 0 : i32
        %dma_wait3A_57 = arith.constant 0 : i32
        %dma_wait3A_58 = tpu.memref_slice %arg12[%dma_wait3A, %dma_wait3A_57] : memref<1000x16xf32, #tpu.memory_space<vmem>> -> memref<16x16xf32, #tpu.memory_space<vmem>>
        %dma_wait3A_59 = arith.constant 9984 : i32
        %dma_wait3A_60 = arith.constant 0 : i32
        %dma_wait3A_61 = tpu.memref_slice %arg8[%arg0, %dma_wait3A_59, %dma_wait3A_60] : memref<2x10000x128xf32, #tpu.memory_space<hbm>> -> memref<1x16x16xf32, #tpu.memory_space<hbm>>
        %dma_wait3A_62 = tpu.memref_squeeze %dma_wait3A_61 : memref<1x16x16xf32, #tpu.memory_space<hbm>> -> memref<16x16xf32, #tpu.memory_space<hbm>>
        %dma_wait3A_63 = arith.constant 9984 : i32
        %dma_wait3A_64 = arith.constant 0 : i32
        %dma_wait3A_65 = tpu.memref_slice %arg8[%arg0, %dma_wait3A_63, %dma_wait3A_64] : memref<2x10000x128xf32, #tpu.memory_space<hbm>> -> memref<1x16x16xf32, #tpu.memory_space<hbm>>
        %dma_wait3A_66 = tpu.memref_squeeze %dma_wait3A_65 : memref<1x16x16xf32, #tpu.memory_space<hbm>> -> memref<16x16xf32, #tpu.memory_space<hbm>>
        %dma_wait3A_67 = arith.constant 0 : i32
        %dma_wait3A_68 = arith.constant 0 : i32
        %dma_wait3A_69 = tpu.memref_slice %arg12[%dma_wait3A_67, %dma_wait3A_68] : memref<1000x16xf32, #tpu.memory_space<vmem>> -> memref<16x16xf32, #tpu.memory_space<vmem>>
        tpu.wait_dma2 semaphore(%run_scoped3A : memref<!tpu.dma_semaphore, #tpu.memory_space<semaphore_mem>>) src(%dma_wait3A_69 : memref<16x16xf32, #tpu.memory_space<vmem>>) dst(%dma_wait3A_66 : memref<16x16xf32, #tpu.memory_space<hbm>>)
        tpu.yield
      }) : () -> ()
    } else {
    }
    return
  }
}

module attributes {stable_mosaic.version = 14 : i64} {
  func.func @_tc_pre_body(%arg0: memref<10000x128xf32, #tpu.memory_space<vmem>>, %arg1: memref<272x16xf32, #tpu.memory_space<vmem>>, %arg2: memref<10000x16xf32, #tpu.memory_space<vmem>>, %arg3: memref<10000x16xf32, #tpu.memory_space<vmem>>) attributes {dimension_semantics = [], scalar_prefetch = 0 : i64, scratch_operands = 0 : i64, tpu.core_type = #tpu.core_type<tc>} {
    %get3A = arith.constant 0 : index
    %get3A_0 = arith.constant 0 : index
    %get3A_1 = vector.load %arg0[%get3A, %get3A_0] : memref<10000x128xf32, #tpu.memory_space<vmem>>, vector<10000x128xf32>
    %get3A_2 = arith.constant 0 : index
    %get3A_3 = arith.constant 0 : index
    %get3A_4 = vector.load %arg1[%get3A_2, %get3A_3] : memref<272x16xf32, #tpu.memory_space<vmem>>, vector<272x16xf32>
    %slice3A = vector.extract_strided_slice %get3A_4 {offsets = [0, 0], sizes = [128, 16], strides = [1, 1]} : vector<272x16xf32> to vector<128x16xf32>
    %dot_general3A = arith.constant dense<0.000000e+00> : vector<10000x16xf32>
    %dot_general3A_5 = tpu.matmul %get3A_1, %slice3A, %dot_general3A {dimension_numbers = #tpu.dot_dimension_numbers<[1], [0], [0], [1], [0, 0, 1, 1], [], []>, transpose_lhs_hint = false} : vector<10000x128xf32>, vector<128x16xf32>, vector<10000x16xf32> -> vector<10000x16xf32>
    %swap3A = arith.constant 0 : index
    %swap3A_6 = arith.constant 0 : index
    %swap3A_7 = vector.load %arg2[%swap3A, %swap3A_6] : memref<10000x16xf32, #tpu.memory_space<vmem>>, vector<10000x16xf32>
    tpu.vector_store %arg2[%swap3A, %swap3A_6], %dot_general3A_5 {strides = array<i32>} : memref<10000x16xf32, #tpu.memory_space<vmem>>, vector<10000x16xf32>,
    %slice3A_8 = vector.extract_strided_slice %get3A_4 {offsets = [128, 0], sizes = [128, 16], strides = [1, 1]} : vector<272x16xf32> to vector<128x16xf32>
    %dot_general3A_9 = arith.constant dense<0.000000e+00> : vector<10000x16xf32>
    %dot_general3A_10 = tpu.matmul %get3A_1, %slice3A_8, %dot_general3A_9 {dimension_numbers = #tpu.dot_dimension_numbers<[1], [0], [0], [1], [0, 0, 1, 1], [], []>, transpose_lhs_hint = false} : vector<10000x128xf32>, vector<128x16xf32>, vector<10000x16xf32> -> vector<10000x16xf32>
    %swap3A_11 = arith.constant 0 : index
    %swap3A_12 = arith.constant 0 : index
    %swap3A_13 = vector.load %arg3[%swap3A_11, %swap3A_12] : memref<10000x16xf32, #tpu.memory_space<vmem>>, vector<10000x16xf32>
    tpu.vector_store %arg3[%swap3A_11, %swap3A_12], %dot_general3A_10 {strides = array<i32>} : memref<10000x16xf32, #tpu.memory_space<vmem>>, vector<10000x16xf32>,
    return
  }
}

module attributes {stable_mosaic.version = 14 : i64} {
  func.func @_tc_base_body(%arg0: i32, %arg1: memref<4000x128xf32, #tpu.memory_space<vmem>>, %arg2: memref<128x128xf32, #tpu.memory_space<vmem>>, %arg3: memref<1x128xf32, #tpu.memory_space<vmem>>, %arg4: memref<4000x128xf32, #tpu.memory_space<vmem>>) attributes {dimension_semantics = [#tpu.dimension_semantics<arbitrary>], iteration_bounds = array<i64: 10>, scalar_prefetch = 0 : i64, scratch_operands = 0 : i64, tpu.core_type = #tpu.core_type<tc>, window_params = [{transform_indices = @transform_0, window_bounds = array<i64: 4000, 128>}, {pipeline_mode = #tpu.pipeline_mode<synchronous>, transform_indices = @transform_1, window_bounds = array<i64: 128, 128>}, {pipeline_mode = #tpu.pipeline_mode<synchronous>, transform_indices = @transform_2, window_bounds = array<i64: 1, 128>}, {transform_indices = @transform_3, window_bounds = array<i64: 4000, 128>}]} {
    %get3A = arith.constant 0 : index
    %get3A_0 = arith.constant 0 : index
    %get3A_1 = vector.load %arg1[%get3A, %get3A_0] : memref<4000x128xf32, #tpu.memory_space<vmem>>, vector<4000x128xf32>
    %get3A_2 = arith.constant 0 : index
    %get3A_3 = arith.constant 0 : index
    %get3A_4 = vector.load %arg2[%get3A_2, %get3A_3] : memref<128x128xf32, #tpu.memory_space<vmem>>, vector<128x128xf32>
    %dot_general3A = arith.constant dense<0.000000e+00> : vector<4000x128xf32>
    %dot_general3A_5 = tpu.matmul %get3A_1, %get3A_4, %dot_general3A {dimension_numbers = #tpu.dot_dimension_numbers<[1], [0], [0], [1], [0, 0, 1, 1], [], []>, transpose_lhs_hint = false} : vector<4000x128xf32>, vector<128x128xf32>, vector<4000x128xf32> -> vector<4000x128xf32>
    %get3A_6 = arith.constant 0 : index
    %get3A_7 = arith.constant 0 : index
    %get3A_8 = vector.load %arg3[%get3A_6, %get3A_7] : memref<1x128xf32, #tpu.memory_space<vmem>>, vector<1x128xf32>
    %add3A = vector.broadcast %get3A_8 : vector<1x128xf32> to vector<4000x128xf32>
    %add3A_9 = arith.addf %dot_general3A_5, %add3A : vector<4000x128xf32>
    %swap3A = arith.constant 0 : index
    %swap3A_10 = arith.constant 0 : index
    %swap3A_11 = vector.load %arg4[%swap3A, %swap3A_10] : memref<4000x128xf32, #tpu.memory_space<vmem>>, vector<4000x128xf32>
    tpu.vector_store %arg4[%swap3A, %swap3A_10], %add3A_9 {strides = array<i32>} : memref<4000x128xf32, #tpu.memory_space<vmem>>, vector<4000x128xf32>,
    return
  }
  func.func @transform_0(%arg0: i32) -> (i32, i32) {
    %c0_i32 = arith.constant 0 : i32
    %c0_i32_0 = arith.constant 0 : i32
    return %arg0, %c0_i32 : i32, i32
  }
  func.func @transform_1(%arg0: i32) -> (i32, i32) {
    %c0_i32 = arith.constant 0 : i32
    %c0_i32_0 = arith.constant 0 : i32
    %c0_i32_1 = arith.constant 0 : i32
    return %c0_i32, %c0_i32_0 : i32, i32
  }
  func.func @transform_2(%arg0: i32) -> (i32, i32) {
    %c0_i32 = arith.constant 0 : i32
    %c0_i32_0 = arith.constant 0 : i32
    %c0_i32_1 = arith.constant 0 : i32
    return %c0_i32, %c0_i32_0 : i32, i32
  }
  func.func @transform_3(%arg0: i32) -> (i32, i32) {
    %c0_i32 = arith.constant 0 : i32
    %c0_i32_0 = arith.constant 0 : i32
    return %arg0, %c0_i32 : i32, i32
  }
}

module attributes {stable_mosaic.version = 14 : i64} {
  func.func @_tc_post_body(%arg0: memref<10000x128xf32, #tpu.memory_space<vmem>>, %arg1: memref<2x10000x16xf32, #tpu.memory_space<vmem>>, %arg2: memref<144x128xf32, #tpu.memory_space<vmem>>, %arg3: memref<1x128xf32, #tpu.memory_space<vmem>>, %arg4: memref<10000x128xf32, #tpu.memory_space<vmem>>) attributes {dimension_semantics = [], scalar_prefetch = 0 : i64, scratch_operands = 0 : i64, tpu.core_type = #tpu.core_type<tc>} {
    %get3A = arith.constant 0 : index
    %get3A_0 = arith.constant 0 : index
    %get3A_1 = vector.load %arg0[%get3A, %get3A_0] : memref<10000x128xf32, #tpu.memory_space<vmem>>, vector<10000x128xf32>
    %get3A_2 = arith.constant 0 : index
    %get3A_3 = arith.constant 0 : index
    %get3A_4 = arith.constant 0 : index
    %get3A_5 = vector.load %arg1[%get3A_2, %get3A_3, %get3A_4] : memref<2x10000x16xf32, #tpu.memory_space<vmem>>, vector<1x10000x16xf32>
    %get3A_6 = vector.shape_cast %get3A_5 : vector<1x10000x16xf32> to vector<10000x16xf32>
    %get3A_7 = arith.constant 1 : index
    %get3A_8 = arith.constant 0 : index
    %get3A_9 = arith.constant 0 : index
    %get3A_10 = vector.load %arg1[%get3A_7, %get3A_8, %get3A_9] : memref<2x10000x16xf32, #tpu.memory_space<vmem>>, vector<1x10000x16xf32>
    %get3A_11 = vector.shape_cast %get3A_10 : vector<1x10000x16xf32> to vector<10000x16xf32>
    %add3A = arith.addf %get3A_6, %get3A_11 : vector<10000x16xf32>
    %get3A_12 = arith.constant 0 : index
    %get3A_13 = arith.constant 0 : index
    %get3A_14 = vector.load %arg2[%get3A_12, %get3A_13] : memref<144x128xf32, #tpu.memory_space<vmem>>, vector<144x128xf32>
    %slice3A = vector.extract_strided_slice %get3A_14 {offsets = [0, 0], sizes = [128, 128], strides = [1, 1]} : vector<144x128xf32> to vector<128x128xf32>
    %dot_general3A = arith.constant dense<0.000000e+00> : vector<10000x128xf32>
    %dot_general3A_15 = tpu.matmul %get3A_1, %slice3A, %dot_general3A {dimension_numbers = #tpu.dot_dimension_numbers<[1], [0], [0], [1], [0, 0, 1, 1], [], []>, transpose_lhs_hint = false} : vector<10000x128xf32>, vector<128x128xf32>, vector<10000x128xf32> -> vector<10000x128xf32>
    %slice3A_16 = vector.extract_strided_slice %get3A_14 {offsets = [128, 0], sizes = [16, 128], strides = [1, 1]} : vector<144x128xf32> to vector<16x128xf32>
    %dot_general3A_17 = arith.constant dense<0.000000e+00> : vector<10000x128xf32>
    %dot_general3A_18 = tpu.matmul %add3A, %slice3A_16, %dot_general3A_17 {dimension_numbers = #tpu.dot_dimension_numbers<[1], [0], [0], [1], [0, 0, 1, 1], [], []>, transpose_lhs_hint = false} : vector<10000x16xf32>, vector<16x128xf32>, vector<10000x128xf32> -> vector<10000x128xf32>
    %add3A_19 = arith.addf %dot_general3A_15, %dot_general3A_18 : vector<10000x128xf32>
    %get3A_20 = arith.constant 0 : index
    %get3A_21 = arith.constant 0 : index
    %get3A_22 = vector.load %arg3[%get3A_20, %get3A_21] : memref<1x128xf32, #tpu.memory_space<vmem>>, vector<1x128xf32>
    %add3A_23 = vector.broadcast %get3A_22 : vector<1x128xf32> to vector<10000x128xf32>
    %add3A_24 = arith.addf %add3A_19, %add3A_23 : vector<10000x128xf32>
    %max3A = arith.constant 0.000000e+00 : f32
    %max3A_25 = vector.broadcast %max3A : f32 to vector<10000x128xf32>
    %max3A_26 = arith.maximumf %add3A_24, %max3A_25 : vector<10000x128xf32>
    %swap3A = arith.constant 0 : index
    %swap3A_27 = arith.constant 0 : index
    %swap3A_28 = vector.load %arg4[%swap3A, %swap3A_27] : memref<10000x128xf32, #tpu.memory_space<vmem>>, vector<10000x128xf32>
    tpu.vector_store %arg4[%swap3A, %swap3A_27], %max3A_26 {strides = array<i32>} : memref<10000x128xf32, #tpu.memory_space<vmem>>, vector<10000x128xf32>,
    return
  }
}

</mosaic_0001>

<sc_bundles>
// kernel: kernel.6.cloned.1.call-start
scs
__scs_entry_jumppad:
0x0: {  	(pc) =	sbr.rel $0x88, $3  }
0x1: {  	(tag) =	ssettag $0x0;
	lr =	simm.s32 $0x1  }
0x2: {  	[smem:$0x3F9A] =	sst lr;
	_ =	strace $0xD0000000  }
0x3: {  	_ = 	snop  }
0x4: {  	_ = 	snop  }
0x5: {  	_ = 	snop  }
0x6: {  	_ = 	snop  }
0x7: {  	_ = 	snop  }
__scs_overlays_trampoline_lowered:
0x8: {  	[smem:$0x3FA9] =	sst s0  }
0x9: {  	[smem:$0x3FAA] =	sst s1  }
0xa: {  	[smem:$0x3FAB] =	sst s2  }
0xb: {  	[smem:$0x3FAC] =	sst s3  }
0xc: {  	[smem:$0x3FAD] =	sst s4  }
0xd: {  	[smem:$0x3FAE] =	sst s5  }
0xe: {  	[smem:$0x3FAF] =	sst s6  }
0xf: {  	[smem:$0x3FB0] =	sst s7  }
0x10: {  	[smem:$0x3FB1] =	sst s8  }
0x11: {  	[smem:$0x3FB2] =	sst s9;
	s0 =	simm.s32 @!p0 $0x0  }
0x12: {  	s1 =	sld [smem:$0x3F98];
	s0 =	simm.s32 @p0 $0x1  }
0x13: {  	[smem:$0x3FB3] =	sst s0;
	s0 =	simm.s32 @!p1 $0x0  }
0x14: {  	s2 =	sld [smem:$0x3F97];
	s0 =	simm.s32 @p1 $0x1  }
0x15: {  	[smem:$0x3FB4] =	sst s0;
	s0 =	simm.s32 @!p2 $0x0  }
0x16: {  	s3 =	sld [smem:$0x3FDB];
	s0 =	simm.s32 @p2 $0x1  }
0x17: {  	s4 =	simm.s32 $0x1BF5;
	[smem:$0x3FB6] =	sst s0  }
0x18: {  	s0 =	sld [smem:$0x3F99];
	_ =	swait.ge [sflag:s4], $0x0  }
0x19: {  	s7 =	sld [smem:$0x3F9A]  }
0x1a: {  	s8 =	sadd.s32 $0xFFFFE003, lr  }
0x1b: {  	s9 =	sadd.s32 $0xFFFFFEF7, lr;
	s5 =	simm.s32 $0xFFFFFFFF;
	p2 =	slt.u32 s8, $0xFFFFF086  }
0x1c: {  	p1 =	slt.u32 s9, $0xF7A;
	s5 =	simm.s32 @!p2 $0x0  }
0x1d: {  	s5 =	simm.s32 @p1 $0x1;
	p0 =	seq.s32 s7, s2  }
0x1e: {  	s7 =	smul.u32 @!p0 $0xF7A, s2;
	p2 =	seq.s32 @!p0 s5, $0x0  }
0x1f: {  	s9 =	smul.u32 $0xF7A, s1;
	s8 =	simm.s32 @!p0 $0x1BF5;
	p2 =	por !p2, p0  }
0x20: {  	[sflag:s8] =	ssyncset.s32 @!p0 $0xFFFFF086;
	s6 =	sadd.s32 @!p0 s3, s7;
	s7 =	simm.s32 @!p0 $0x108  }
0x21: {  	s3 =	sadd.s32 s3, s9;
	s6 =	sadd.s32 @!p0 $0x88, s6;
	s7 =	simm.s32 @p2 $0x1082  }
0x22: {  	[simem:s7], [sflag:s8] =	dma.local @!p0 [hbm:s6], $0xF7A  }
0x23: {  	s9 =	sor.u32 $0xD0000000, s2;
	s6 =	simm.s32 $0x108;
	_ =	swait.ge @!p0 [sflag:s8], $0x0  }
0x24: {  	s3 =	sadd.s32 $0x88, s3;
	s6 =	simm.s32 @!p1 $0x1082;
	[sflag:s4] =	ssyncset.s32 $0xFFFFF086  }
0x25: {  	[simem:s6], [sflag:s4] =	dma.local [hbm:s3], $0xF7A  }
0x26: {  	[smem:$0x3F9A] =	sst s1;
	(tag) =	ssettag s2;
	_ =	strace s9  }
0x27: {  	s1 =	sld [smem:$0x3FAA]  }
0x28: {  	s2 =	sld [smem:$0x3FAB]  }
0x29: {  	s4 =	sld [smem:$0x3FAD]  }
0x2a: {  	p0 =	seq.s32 s5, $0x0;
	s5 =	sld [smem:$0x3FAE]  }
0x2b: {  	s6 =	sld [smem:$0x3FAF]  }
0x2c: {  	s7 =	sld [smem:$0x3FB0]  }
0x2d: {  	s3 =	simm.s32 $0x108;
	s8 =	sld [smem:$0x3FB1]  }
0x2e: {  	s3 =	simm.s32 @!p0 $0x1082;
	s9 =	sld [smem:$0x3FB2]  }
0x2f: {  	lr =	sadd.s32 s0, s3;
	s0 =	sld [smem:$0x3FA9]  }
0x30: {  	s3 =	sld [smem:$0x3FAC]  }
0x31: {  	[smem:$0x3FB5] =	sst s10  }
0x32: {  	s10 =	sld [smem:$0x3FB3];
	_ =	sdelay $0x3  }
0x33: {  	p0 =	seq.s32 s10, $0x1;
	s10 =	sld [smem:$0x3FB5];
	_ =	sdelay $0x3  }
0x34: {  	[smem:$0x3FB5] =	sst s10  }
0x35: {  	s10 =	sld [smem:$0x3FB4];
	_ =	sdelay $0x3  }
0x36: {  	p1 =	seq.s32 s10, $0x1;
	s10 =	sld [smem:$0x3FB5];
	_ =	sdelay $0x3  }
0x37: {  	[smem:$0x3FB5] =	sst s10  }
0x38: {  	s10 =	sld [smem:$0x3FB6]  }
0x39: {  	_ = 	snop;
	(pc) =	sbr.ind lr, $3  }
0x3a: {  	_ = 	snop  }
0x3b: {  	_ = 	snop  }
0x3c: {  	p2 =	seq.s32 s10, $0x1;
	s10 =	sld [smem:$0x3FB5]  }
0x3d: {  	_ =	shalt  }
0x3e: {  	_ =	shalt  }
0x3f: {  	_ =	shalt  }
0x40: {  	_ =	shalt  }
0x41: {  	_ =	shalt  }
0x42: {  	_ =	shalt  }
0x43: {  	_ =	shalt  }
0x44: {  	_ =	shalt  }
0x45: {  	_ =	shalt  }
0x46: {  	_ =	shalt  }
0x47: {  	_ =	shalt  }
0x48: {  	_ =	shalt  }
0x49: {  	_ =	shalt  }
0x4a: {  	_ =	shalt  }
0x4b: {  	_ =	shalt  }
0x4c: {  	_ =	shalt  }
0x4d: {  	_ =	shalt  }
0x4e: {  	_ =	shalt  }
0x4f: {  	_ =	shalt  }
0x50: {  	_ =	shalt  }
0x51: {  	_ =	shalt  }
0x52: {  	_ =	shalt  }
0x53: {  	_ =	shalt  }
0x54: {  	_ =	shalt  }
0x55: {  	_ =	shalt  }
0x56: {  	_ =	shalt  }
0x57: {  	_ =	shalt  }
0x58: {  	_ =	shalt  }
0x59: {  	_ =	shalt  }
0x5a: {  	_ =	shalt  }
0x5b: {  	_ =	shalt  }
0x5c: {  	_ =	shalt  }
0x5d: {  	_ =	shalt  }
0x5e: {  	_ =	shalt  }
0x5f: {  	_ =	shalt  }
0x60: {  	_ =	shalt  }
0x61: {  	_ =	shalt  }
0x62: {  	_ =	shalt  }
0x63: {  	_ =	shalt  }
0x64: {  	_ =	shalt  }
0x65: {  	_ =	shalt  }
0x66: {  	_ =	shalt  }
0x67: {  	_ =	shalt  }
0x68: {  	_ =	shalt  }
0x69: {  	_ =	shalt  }
0x6a: {  	_ =	shalt  }
0x6b: {  	_ =	shalt  }
0x6c: {  	_ =	shalt  }
0x6d: {  	_ =	shalt  }
0x6e: {  	_ =	shalt  }
0x6f: {  	_ =	shalt  }
0x70: {  	_ =	shalt  }
0x71: {  	_ =	shalt  }
0x72: {  	_ =	shalt  }
0x73: {  	_ =	shalt  }
0x74: {  	_ =	shalt  }
0x75: {  	_ =	shalt  }
0x76: {  	_ =	shalt  }
0x77: {  	_ =	shalt  }
0x78: {  	_ =	shalt  }
0x79: {  	_ =	shalt  }
0x7a: {  	_ =	shalt  }
0x7b: {  	_ =	shalt  }
0x7c: {  	_ =	shalt  }
0x7d: {  	_ =	shalt  }
0x7e: {  	_ =	shalt  }
0x7f: {  	_ =	shalt  }
0x80: {  	_ =	shalt  }
0x81: {  	_ =	shalt  }
0x82: {  	_ =	shalt  }
0x83: {  	_ =	shalt  }
0x84: {  	_ =	shalt  }
0x85: {  	_ =	shalt  }
0x86: {  	_ =	shalt  }
0x87: {  	_ =	shalt  }
.Lfunc_end0:
.L_simem_size_0:
called_computation_lowered:
.L_overlay_start_0:
0x88: {  	s2 =	sld [smem:$0x3FD9]  }
0x89: {  	s3 =	sld [smem:$0x3FFE];
	_ =	sdelay $0x1  }
0x8a: {  	s1 =	srdreg.scid  }
0x8b: {  	s0 =	sand.u32 $0x1, s1  }
0x8c: {  	s14 =	sshll.u32 s0, $0xA;
	s2 =	sadd.s32 s3, s2  }
0x8d: {  	s2 =	sadd.s32 s2, s14  }
0x8e: {  	[smem:$0x3FC1] =	sst s2  }
0x8f: {  	_ = 	snop  }
0x90: {  	s2 =	sld [smem:$0x3FD0];
	_ =	sdelay $0x2  }
0x91: {  	s15 =	simm.s32 $0xA;
	s4 =	simm.s32 $0x10  }
0x92: {  	[smem:s4], [sflag:s15] =	dma.local [hbm:s2], $0x1  }
0x93: {  	_ =	swait.eq [sflag:s15], $0x1  }
0x94: {  	[sflag:s15] =	ssyncset.done $0x0  }
0x95: {  	s16 =	sld [smem:$0x10];
	[sflag:s15] =	ssyncadd.s32 $0xFFFFFFFF  }
0x96: {  	s17 =	sld [smem:$0x11];
	(tm) =	ssettm $0x1  }
0x97: {  	s18 =	sld [smem:$0x3FFB];
	_ =	sdelay $0x3  }
0x98: {  	_ =	strace s18  }
0x99: {  	s4 =	sld [smem:$0x3FFC];
	_ =	sdelay $0x3  }
0x9a: {  	_ =	strace s4  }
0x9b: {  	s4 =	sld [smem:$0x3FFD];
	_ =	sdelay $0x3  }
0x9c: {  	_ =	strace s4  }
0x9d: {  	_ =	strace $0x8FFFFFFF  }
0x9e: {  	s19 =	sld [smem:$0x3FDB];
	_ =	sdelay $0x1  }
0x9f: {  	s5 =	simm.s32 $_scs_section_size  }
0xa0: {  	s6 =	simm.s32 $_size__tile_overlayer_lowered;
	s7 =	simm.s32 $_tile_overlayer_lowered  }
0xa1: {  	s22 =	simm.s32 $0x1BFF;
	s21 =	sshll.u32 s7, $0x1;
	s4 =	sadd.s32 s5, s19  }
0xa2: {  	s8 =	simm.s32 $0x0;
	s20 =	sshll.u32 s6, $0x1;
	s6 =	sadd.s32 s21, s4  }
0xa3: {  	[timem:s8], [sflag:s22] =	dma.local [hbm:s6], s20  }
0xa4: {  	_ =	swait.ge [sflag:s22], s20  }
0xa5: {  	s5 =	ssub.s32 $0x0, s20;
	[sflag:s22] =	ssyncset.done $0x0  }
0xa6: {  	[sflag:s22] =	ssyncadd.s32 s5;
	_ =	sdelay $0x1  }
0xa7: {  	s23 =	simm.s32 $0x1B8B  }
0xa8: {  	_ =	swait.ge [sflag:s23], $0x1  }
0xa9: {  	[sflag:s23] =	ssyncset.done $0x0  }
0xaa: {  	s25 =	simm.s32 $0x1B8E;
	s24 =	sld [smem:$0x3FFE];
	[sflag:s23] =	ssyncadd.s32 $0xFFFFFFFF  }
0xab: {  	s26 =	simm.s32 $execute0_lowered;
	[smem:$0x3FD2] =	sst s25  }
0xac: {  	s6 =	sshll.u32 s26, $0x1;
	_ =	strace $0x80000046;
	[dreg:$0x1] =	wrdreg $0xFFFFFFFF  }
0xad: {  	s28 =	simm.s32 $_size_execute0_lowered;
	s4 =	sadd.s32 s4, s6;
	[dreg:$0x0] =	wrdreg $0x0  }
0xae: {  	s6 =	sshll.u32 s28, $0x1;
	[dreg:$0x2] =	wrdreg s4  }
0xaf: {  	[dreg:$0x3] =	wrdreg s6  }
0xb0: {  	[dreg:$0x4] =	wrdreg $0xC0  }
0xb1: {  	_ =	task [dreg:s8], $0x5FFFF  }
0xb2: {  	[dreg:$0x1] =	wrdreg $0xFFFFFFFF  }
0xb3: {  	[dreg:$0x0] =	wrdreg $0x60  }
0xb4: {  	[dreg:$0x2] =	wrdreg s24  }
0xb5: {  	[dreg:$0x3] =	wrdreg s17  }
0xb6: {  	[dreg:$0x4] =	wrdreg s16  }
0xb7: {  	[dreg:$0x5] =	wrdreg $0x1C5800  }
0xb8: {  	[dreg:$0x6] =	wrdreg $0x9  }
0xb9: {  	_ =	task.clear_ibuf [dreg:s8], $0x7FFFF;
	_ =	strace $0x90000046  }
0xba: {  	s29 =	simm.s32 $0x9;
	_ =	strace $0x80000048  }
0xbb: {  	_ =	swait.ge [sflag:s29], $0x1  }
0xbc: {  	[sflag:s29] =	ssyncadd.s32 $0xFFFFFFFF  }
0xbd: {  	_ =	strace $0x90000048  }
0xbe: {  	_ =	sfence  }
0xbf: {  	s30 =	sld [smem:$0x0];
	_ =	sdelay $0x2  }
0xc0: {  	s31 =	sshll.u32 s1, $0xD;
	s1 =	sshrl.u32 s1, $0x2  }
0xc1: {  	s3 =	sand.u32 $0x4000, s31;
	s1 =	sadd.s32 s1, s30  }
0xc2: {  	s0 =	sor.u32 s3, s0;
	s1 =	sshll.u32 s1, $0x11  }
0xc3: {  	s0 =	sor.u32 s1, s0  }
0xc4: {  	s0 =	sadd.s32 $0x8F2B, s0  }
0xc5: {  	[sflag:s0] =	ssyncadd.remote.s32 $0x1  }
0xc6: {  	_ =	sfence.sel $0xFFFF  }
0xc7: {  	[dreg:$0x0] =	wrdreg $0xFFFFFFFF;
	(pc) =	sbr.abs _section_cstart, $3  }
0xc8: {  	[dreg:$0x1] =	wrdreg $0xFFFFFFFF  }
0xc9: {  	_ =	task.clear_ibuf [dreg:s8], $0x2FFFF;
	_ =	strace $0x9FFFFFFF  }
0xca: {  	(tm) =	ssettm $0x7FFFFFFF  }
0xcb: {  	_ =	shalt  }
tec
execute0_lowered:
.L_overlay_start_1:
0x0: {  	(tag) =	ssettag $0x1  }
0x1: {  	s0 =	rddreg [dreg:$0x0]  }
0x2: {  	s14 =	rddreg [dreg:$0x1]  }
0x3: {  	s15 =	rddreg [dreg:$0x2]  }
0x4: {  	s3 =	rddreg [dreg:$0x3]  }
0x5: {  	s1 =	simm.s32 $0x0;
	s20 =	srdreg.scid;
	s2 =	stileid.u32  }
0x6: {  	s30 =	simm.s32 $0xC800;
	s29 =	simm.s32 $0xC880;
	s19 =	simm.s32 $0x3  }
0x7: {  	s18 =	simm.s32 $0x8;
	s31 =	simm.s32 $0x6;
	[smem:$0x7FF] =	sst s1  }
0x8: {  	s1 =	sand.u32 $0x1, s20;
	s5 =	sadd.s32 $0xBA00, s0;
	s6 =	sadd.s32 $0x10A00, s0  }
0x9: {  	s10 =	smul.u32 $0x9C00, s2;
	s7 =	sadd.s32 $0x1A00, s0;
	s8 =	sadd.s32 $0x15A00, s0  }
0xa: {  	s0 =	sadd.s32 $0x4F7A00, s0;
	s21 =	smul.u32 $0x13800, s2;
	s28 =	sadd.s32 $0x27000, s3  }
0xb: {  	p0 =	sne.s32 s2, $0x0;
	s20 =	simm.s32 $0x9;
	s4 =	sshll.u32 s1, $0x4  }
0xc: {  	s11 =	ssub.s32 $0x2, s1;
	s1 =	smul.u32 $0x138800, s1;
	s4 =	sor.u32 s2, s4  }
0xd: {  	_ =	strace $0x80000047;
	[dreg:$0xd] =	wrdreg s7;
	s9 =	smul.u32 $0x2710, s4  }
0xe: {  	[dreg:$0x6] =	wrdreg s28;
	s13 =	sshrl.u32 s11, $0x1;
	s12 =	smul.u32 $0x500, s4  }
0xf: {  	s10 =	sshrl.u32 s10, $0x2;
	s2 =	simm.s32 $0x2;
	s23 =	smul.u32 $0x4E20, s4  }
0x10: {  	s11 =	ssub.s32 s11, s13;
	s17 =	sadd.s32 s10, s3;
	s4 =	smul.u32 $0x2800, s4  }
0x11: {  	s10 =	sadd.s32 s21, s1;
	s1 =	sshrl.u32 s1, $0x3;
	[dreg:$0x5] =	wrdreg s17  }
0x12: {  	s10 =	sshrl.u32 s10, $0x3;
	s26 =	smax.u32 s11, $0x1;
	[dreg:$0xe] =	wrdreg s4  }
0x13: {  	s1 =	sadd.s32 s0, s1;
	s22 =	sadd.s32 s15, s12;
	[dreg:$0xc] =	wrdreg s26  }
0x14: {  	s12 =	sadd.s32 s7, s12;
	s24 =	sadd.s32 s14, s23;
	[dreg:$0x7] =	wrdreg s22  }
0x15: {  	s0 =	sadd.s32 s0, s10;
	s25 =	sadd.s32 $0x27000, s1;
	[dreg:$0x8] =	wrdreg s12  }
0x16: {  	s23 =	simm.s32 $0x7D;
	s4 =	simm.s32 $0x80;
	[dreg:$0x9] =	wrdreg s24  }
0x17: {  	s26 =	simm.s32 $0xC780;
	s1 =	simm.s32 $0x1;
	[dreg:$0xa] =	wrdreg s0  }
0x18: {  	s14 =	simm.s32 $0x5;
	s7 =	simm.s32 $0x0;
	[dreg:$0xb] =	wrdreg s25  }
0x19: {  	v0 =	vimm.f32 $0.0e+00;
	s0 =	simm.s32 $0x18700;
	s24 =	simm.s32 $0x7;
	s22 =	simm.s32 $0x4  }
.LBB2_1:
0x1a: {  	[dreg:$0xf] =	wrdreg s7;
	s11 =	simm.s32 $0x40;
	s12 =	simm.s32 $0x0  }
.LBB2_2:
0x1b: {  	p1 =	sne.s32 s11, $0x9BC0;
	[tilespmem:s12+$0x800] =	vst v0;
	s12 =	smov.u32 s11;
	s11 =	sadd.s32 $0x40, s11  }
.Ltmp0:
0x1c: {  	(pc) =	sbr.rel @p1 .LBB2_2-.Ltmp0, $2  }
0x1d: {  	_ =	sdelay $0x2  }
0x1e: {  	s12 =	sshra.s32 s12, $0x2  }
0x1f: {  	[tilespmem:s12+$0x800] =	vst v0;
	s13 =	simm.s32 $0x800  }
0x20: {  	[spmem:s17] =	stream.linear.scatter [tilespmem:s13], [sflag:$0x9], $0x2700, $0x38;
	[tilespmem:$0x1EC90] =	vst v63  }
0x21: {  	_ =	swait.ge [sflag:s20], $0x2700  }
0x22: {  	[sflag:s20] =	ssyncset.done $0x0  }
0x23: {  	s11 =	simm.s32 @!p0 $0x800;
	[sflag:s20] =	ssyncadd.s32 $0xFFFFD900  }
0x24: {  	[spmem:s28] =	stream.linear.scatter @!p0 [tilespmem:s11], [sflag:$0x9], $0x100, $0x38;
	[tilespmem:$0x1EC90] =	vst v63  }
0x25: {  	s11 =	simm.s32 @!p0 $0x9  }
0x26: {  	_ =	swait.ge @!p0 [sflag:s11], $0x100  }
0x27: {  	[sflag:s11] =	ssyncset.done @!p0 $0x0  }
0x28: {  	[sflag:s11] =	ssyncadd.s32 @!p0 $0xFFFFFF00  }
0x29: {  	[bflag:$0x0] =	sbarrier.arrive $0xFFFF  }
0x2a: {  	s12 =	simm.s32 $0x0;
	s7 =	rddreg [dreg:$0x7]  }
0x2b: {  	[tilespmem:s12], [sflag:$0x9] =	stream.linear.gather [hbm4b:s7+s12], $0x400, $0x38;
	[tilespmem:$0x1EC90] =	vst v63  }
0x2c: {  	_ =	swait.ge [sflag:s20], $0x400  }
0x2d: {  	[sflag:s20] =	ssyncset.done $0x0  }
0x2e: {  	s16 =	simm.s32 $0x400;
	s10 =	rddreg [dreg:$0x8];
	[sflag:s20] =	ssyncadd.s32 $0xFFFFFC00  }
0x2f: {  	[tilespmem:s16], [sflag:$0x9] =	stream.linear.gather [hbm4b:s10+s12], $0x400, $0x38;
	[tilespmem:$0x1EC90] =	vst v63  }
0x30: {  	_ =	swait.ge [sflag:s20], $0x400  }
0x31: {  	[sflag:s20] =	ssyncset.done $0x0  }
0x32: {  	s10 =	simm.s32 $0x8500;
	s15 =	rddreg [dreg:$0x9];
	[sflag:s20] =	ssyncadd.s32 $0xFFFFFC00  }
0x33: {  	[tilespmem:s10], [sflag:$0x3] =	stream.linear.gather [hbm4b:s15+s12], $0x3E80, $0x38;
	[tilespmem:$0x1EC90] =	vst v63  }
0x34: {  	_ = 	snop  }
0x35: {  	[tilespmem:s13], [sflag:$0x1] =	stream.indirect.gather [hbm4b:s5+s23], $0x10, s12, s23, $0xb8;
	[tilespmem:$0x1EC90] =	vst v63  }
0x36: {  	s17 =	simm.s32 $0x4680  }
0x37: {  	[tilespmem:s17], [sflag:$0x2] =	stream.indirect.gather [hbm4b:s6+s23], $0x10, s16, s23, $0xb8;
	[tilespmem:$0x1EC90] =	vst v63  }
0x38: {  	s21 =	simm.s32 $0xFD0  }
0x39: {  	[tilespmem:s21], [sflag:$0x1] =	stream.indirect.gather [hbm4b:s5+s23], $0x10, s4, s23, $0xb8;
	[tilespmem:$0x1EC90] =	vst v63  }
0x3a: {  	s25 =	simm.s32 $0x480;
	s28 =	simm.s32 $0x4E50  }
0x3b: {  	[tilespmem:s28], [sflag:$0x2] =	stream.indirect.gather [hbm4b:s6+s23], $0x10, s25, s23, $0xb8;
	[tilespmem:$0x1EC90] =	vst v63  }
0x3c: {  	s7 =	simm.s32 $0x17A0;
	s4 =	simm.s32 $0x100  }
0x3d: {  	[tilespmem:s7], [sflag:$0x1] =	stream.indirect.gather [hbm4b:s5+s23], $0x10, s4, s23, $0xb8;
	[tilespmem:$0x1EC90] =	vst v63  }
0x3e: {  	s15 =	simm.s32 $0x500;
	s16 =	simm.s32 $0x5620  }
0x3f: {  	[tilespmem:s16], [sflag:$0x2] =	stream.indirect.gather [hbm4b:s6+s23], $0x10, s15, s23, $0xb8;
	[tilespmem:$0x1EC90] =	vst v63  }
0x40: {  	s17 =	simm.s32 $0x180;
	s21 =	simm.s32 $0x1F70  }
0x41: {  	[tilespmem:s21], [sflag:$0x1] =	stream.indirect.gather [hbm4b:s5+s23], $0x10, s17, s23, $0xb8;
	[tilespmem:$0x1EC90] =	vst v63  }
0x42: {  	s25 =	simm.s32 $0x580;
	s28 =	simm.s32 $0x5DF0  }
0x43: {  	[tilespmem:s28], [sflag:$0x2] =	stream.indirect.gather [hbm4b:s6+s23], $0x10, s25, s23, $0xb8;
	[tilespmem:$0x1EC90] =	vst v63  }
0x44: {  	s4 =	simm.s32 $0x200;
	s7 =	simm.s32 $0x2740  }
0x45: {  	[tilespmem:s7], [sflag:$0x1] =	stream.indirect.gather [hbm4b:s5+s23], $0x10, s4, s23, $0xb8;
	[tilespmem:$0x1EC90] =	vst v63  }
0x46: {  	s15 =	simm.s32 $0x600;
	s16 =	simm.s32 $0x65C0  }
0x47: {  	[tilespmem:s16], [sflag:$0x2] =	stream.indirect.gather [hbm4b:s6+s23], $0x10, s15, s23, $0xb8;
	[tilespmem:$0x1EC90] =	vst v63  }
0x48: {  	s17 =	simm.s32 $0x280;
	s21 =	simm.s32 $0x2F10  }
0x49: {  	[tilespmem:s21], [sflag:$0x1] =	stream.indirect.gather [hbm4b:s5+s23], $0x10, s17, s23, $0xb8;
	[tilespmem:$0x1EC90] =	vst v63  }
0x4a: {  	s25 =	simm.s32 $0x680;
	s28 =	simm.s32 $0x6D90  }
0x4b: {  	[tilespmem:s28], [sflag:$0x2] =	stream.indirect.gather [hbm4b:s6+s23], $0x10, s25, s23, $0xb8;
	[tilespmem:$0x1EC90] =	vst v63  }
0x4c: {  	s10 =	simm.s32 $0x400;
	s4 =	simm.s32 $0x300;
	s7 =	simm.s32 $0x36E0  }
0x4d: {  	[tilespmem:s7], [sflag:$0x1] =	stream.indirect.gather [hbm4b:s5+s23], $0x10, s4, s23, $0xb8;
	[tilespmem:$0x1EC90] =	vst v63  }
0x4e: {  	s15 =	simm.s32 $0x700;
	s16 =	simm.s32 $0x7560;
	s17 =	simm.s32 $0x380  }
0x4f: {  	[tilespmem:s16], [sflag:$0x2] =	stream.indirect.gather [hbm4b:s6+s23], $0x10, s15, s23, $0xb8;
	[tilespmem:$0x1EC90] =	vst v63  }
0x50: {  	s21 =	simm.s32 $0x3EB0;
	s25 =	simm.s32 $0x780;
	s28 =	simm.s32 $0x7D30  }
0x51: {  	[tilespmem:s21], [sflag:$0x1] =	stream.indirect.gather [hbm4b:s5+s23], $0x10, s17, s23, $0xb8;
	[tilespmem:$0x1EC90] =	vst v63  }
0x52: {  	s4 =	simm.s32 $0xC900;
	s7 =	simm.s32 $0xCA80;
	s15 =	simm.s32 $0xCB00  }
0x53: {  	[tilespmem:s28], [sflag:$0x2] =	stream.indirect.gather [hbm4b:s6+s23], $0x10, s25, s23, $0xb8;
	[tilespmem:$0x1EC90] =	vst v63  }
0x54: {  	s17 =	simm.s32 $0x0;
	s21 =	simm.s32 $0xC980;
	s25 =	simm.s32 $0xCA00  }
.LBB2_4:
0x55: {  	s11 =	sshllo.u32 s17, $0x1  }
0x56: {  	s16 =	rddreg [dreg:$0xe];
	s13 =	sshll.u32 s11, $0xA  }
0x57: {  	s13 =	sadd.s32 s16, s13  }
0x58: {  	s16 =	rddreg [dreg:$0x2];
	s13 =	sshrl.u32 s13, $0x3  }
0x59: {  	s28 =	simm.s32 $0xC380;
	s16 =	sadd.s32 s16, s13  }
0x5a: {  	[tilespmem:s28], [sflag:$0x9] =	stream.linear.gather [hbm4b:s16+s12], $0x400, $0x38;
	[tilespmem:$0x1EC90] =	vst v63  }
0x5b: {  	_ =	swait.ge [sflag:s20], $0x400  }
0x5c: {  	[sflag:s20] =	ssyncset.done $0x0;
	s16 =	rddreg [dreg:$0xd]  }
0x5d: {  	[sflag:s20] =	ssyncadd.s32 $0xFFFFFC00;
	s13 =	sadd.s32 s16, s13  }
0x5e: {  	[tilespmem:s26], [sflag:$0x9] =	stream.linear.gather [hbm4b:s13+s12], $0x400, $0x38;
	[tilespmem:$0x1EC90] =	vst v63  }
0x5f: {  	s11 =	smul.u32 $0x3E8, s11;
	_ =	swait.ge [sflag:s20], $0x400  }
0x60: {  	[sflag:s20] =	ssyncset.done $0x0  }
0x61: {  	s13 =	sadd.s32 s9, s11;
	[sflag:s20] =	ssyncadd.s32 $0xFFFFFC00  }
0x62: {  	s11 =	sshll.u32 s13, $0x1;
	s16 =	rddreg [dreg:$0x1]  }
0x63: {  	s11 =	sadd.s32 s16, s11;
	s16 =	simm.s32 $0x14880  }
0x64: {  	[tilespmem:s16], [sflag:$0x6] =	stream.linear.gather [hbm4b:s11+s12], $0x3E80, $0x38;
	[tilespmem:$0x1EC90] =	vst v63  }
0x65: {  	s16 =	simm.s32 $0xCB80  }
0x66: {  	[tilespmem:s16], [sflag:$0x4] =	stream.indirect.gather [hbm4b:s5+s23], $0x10, s28, s23, $0xb8;
	[tilespmem:$0x1EC90] =	vst v63  }
0x67: {  	s16 =	simm.s32 $0x10A00  }
0x68: {  	[tilespmem:s16], [sflag:$0x5] =	stream.indirect.gather [hbm4b:s6+s23], $0x10, s26, s23, $0xb8;
	[tilespmem:$0x1EC90] =	vst v63  }
0x69: {  	s11 =	simm.s32 $0xC400;
	s16 =	simm.s32 $0xD350  }
0x6a: {  	[tilespmem:s16], [sflag:$0x4] =	stream.indirect.gather [hbm4b:s5+s23], $0x10, s11, s23, $0xb8;
	[tilespmem:$0x1EC90] =	vst v63  }
0x6b: {  	s16 =	simm.s32 $0x111D0  }
0x6c: {  	[tilespmem:s16], [sflag:$0x5] =	stream.indirect.gather [hbm4b:s6+s23], $0x10, s30, s23, $0xb8;
	[tilespmem:$0x1EC90] =	vst v63  }
0x6d: {  	s11 =	simm.s32 $0xC480;
	s16 =	simm.s32 $0xDB20  }
0x6e: {  	[tilespmem:s16], [sflag:$0x4] =	stream.indirect.gather [hbm4b:s5+s23], $0x10, s11, s23, $0xb8;
	[tilespmem:$0x1EC90] =	vst v63  }
0x6f: {  	s16 =	simm.s32 $0x119A0  }
0x70: {  	[tilespmem:s16], [sflag:$0x5] =	stream.indirect.gather [hbm4b:s6+s23], $0x10, s29, s23, $0xb8;
	[tilespmem:$0x1EC90] =	vst v63  }
0x71: {  	s11 =	simm.s32 $0xC500;
	s16 =	simm.s32 $0xE2F0  }
0x72: {  	[tilespmem:s16], [sflag:$0x4] =	stream.indirect.gather [hbm4b:s5+s23], $0x10, s11, s23, $0xb8;
	[tilespmem:$0x1EC90] =	vst v63  }
0x73: {  	s16 =	simm.s32 $0x12170  }
0x74: {  	[tilespmem:s16], [sflag:$0x5] =	stream.indirect.gather [hbm4b:s6+s23], $0x10, s4, s23, $0xb8;
	[tilespmem:$0x1EC90] =	vst v63  }
0x75: {  	s11 =	simm.s32 $0xC580;
	s16 =	simm.s32 $0xEAC0  }
0x76: {  	[tilespmem:s16], [sflag:$0x4] =	stream.indirect.gather [hbm4b:s5+s23], $0x10, s11, s23, $0xb8;
	[tilespmem:$0x1EC90] =	vst v63  }
0x77: {  	s11 =	simm.s32 $0x12940  }
0x78: {  	[tilespmem:s11], [sflag:$0x5] =	stream.indirect.gather [hbm4b:s6+s23], $0x10, s21, s23, $0xb8;
	[tilespmem:$0x1EC90] =	vst v63  }
0x79: {  	s16 =	simm.s32 $0xC600;
	s21 =	simm.s32 $0xF290  }
0x7a: {  	[tilespmem:s21], [sflag:$0x4] =	stream.indirect.gather [hbm4b:s5+s23], $0x10, s16, s23, $0xb8;
	[tilespmem:$0x1EC90] =	vst v63  }
0x7b: {  	s16 =	simm.s32 $0x13110  }
0x7c: {  	[tilespmem:s16], [sflag:$0x5] =	stream.indirect.gather [hbm4b:s6+s23], $0x10, s25, s23, $0xb8;
	[tilespmem:$0x1EC90] =	vst v63  }
0x7d: {  	s21 =	simm.s32 $0xC680;
	s25 =	simm.s32 $0xFA60  }
0x7e: {  	[tilespmem:s25], [sflag:$0x4] =	stream.indirect.gather [hbm4b:s5+s23], $0x10, s21, s23, $0xb8;
	[tilespmem:$0x1EC90] =	vst v63  }
0x7f: {  	s11 =	simm.s32 $0x138E0  }
0x80: {  	[tilespmem:s11], [sflag:$0x5] =	stream.indirect.gather [hbm4b:s6+s23], $0x10, s7, s23, $0xb8;
	[tilespmem:$0x1EC90] =	vst v63  }
0x81: {  	s16 =	simm.s32 $0xC700;
	s21 =	simm.s32 $0x10230  }
0x82: {  	[tilespmem:s21], [sflag:$0x4] =	stream.indirect.gather [hbm4b:s5+s23], $0x10, s16, s23, $0xb8;
	[tilespmem:$0x1EC90] =	vst v63  }
0x83: {  	s25 =	simm.s32 $0x140B0  }
0x84: {  	[tilespmem:s25], [sflag:$0x5] =	stream.indirect.gather [hbm4b:s6+s23], $0x10, s15, s23, $0xb8;
	[tilespmem:$0x1EC90] =	vst v63  }
0x85: {  	_ =	swait.ge [sflag:s19], $0x3E80  }
0x86: {  	[sflag:s19] =	ssyncset.done $0x0  }
0x87: {  	[sflag:s19] =	ssyncadd.s32 $0xFFFFC180  }
0x88: {  	_ =	swait.ge [sflag:s1], $0x3E80  }
0x89: {  	[sflag:s1] =	ssyncset.done $0x0  }
0x8a: {  	[sflag:s1] =	ssyncadd.s32 $0xFFFFC180  }
0x8b: {  	_ =	swait.ge [sflag:s2], $0x3E80  }
0x8c: {  	[sflag:s2] =	ssyncset.done $0x0  }
0x8d: {  	s11 =	simm.s32 $0x0;
	[sflag:s2] =	ssyncadd.s32 $0xFFFFC180  }
0x8e: {  	v1 =	vld [tilespmem:s11+$0x8500]  }
0x8f: {  	v2 =	vld [tilespmem:s11+$0x800];
	_ =	sdelay $0x1  }
0x90: {  	v3 =	vld [tilespmem:s11+$0x4680];
	_ =	sdelay $0x2  }
0x91: {  	s29 =	simm.s32 $0x10;
	v2 =	vadd.f32 v2, v1  }
0x92: {  	v1 =	vld [tilespmem:s29+$0x8500]  }
0x93: {  	v4 =	vadd.f32 v3, v2;
	v2 =	vld [tilespmem:s29+$0x800]  }
0x94: {  	s28 =	smul.u32 $0x7D0, s17  }
0x95: {  	s30 =	sshll.u32 s13, $0x4;
	v3 =	vld [tilespmem:s29+$0x4680]  }
0x96: {  	s13 =	sadd.s32 s9, s28;
	s28 =	simm.s32 $0x80;
	s16 =	sshll.u32 s17, $0x1;
	v4 =	vmax.f32 v4, $0.0e+00  }
.LBB2_5:
0x97: {  	[tilespmem:s11+$0x18700] =	vst v4;
	s11 =	smov.u32 s29;
	s29 =	sshra.s32 s28, $0x2;
	p1 =	sne.s32 s28, $0xF9C0  }
.Ltmp1:
0x98: {  	s28 =	sadd.s32 $0x40, s28;
	v4 =	vadd.f32 v2, v1;
	v1 =	vld [tilespmem:s29+$0x8500];
	(pc) =	sbr.rel @p1 .LBB2_5-.Ltmp1, $4  }
0x99: {  	v2 =	vld [tilespmem:s29+$0x800]  }
0x9a: {  	v4 =	vadd.f32 v3, v4  }
0x9b: {  	v3 =	vld [tilespmem:s29+$0x4680]  }
0x9c: {  	v4 =	vmax.f32 v4, $0.0e+00  }
0x9d: {  	_ = 	snop  }
0x9e: {  	v1 =	vadd.f32 v2, v1;
	_ =	sdelay $0x1  }
0x9f: {  	v1 =	vadd.f32 v3, v1;
	_ =	sdelay $0x1  }
0xa0: {  	[tilespmem:s11+$0x18700] =	vst v4;
	s25 =	sshll.u32 s13, $0x4;
	v1 =	vmax.f32 v1, $0.0e+00  }
0xa1: {  	s4 =	simm.s32 $0x80;
	s7 =	simm.s32 $0x10;
	s11 =	sadd.s32 s8, s25;
	[tilespmem:s29+$0x18700] =	vst v1  }
0xa2: {  	[hbm4b:s11+s7] =	stream.strided.scatter [tilespmem:s0], [sflag:$0x7], $0x3E80, s4, s7, $0x38;
	[tilespmem:$0x1EC90] =	vst v63  }
0xa3: {  	_ = 	snop  }
0xa4: {  	[spmem:s3] =	stream.indirect.scatter.add.f32 [tilespmem:s0], [sflag:$0x8], $0x10, s10, s23, $0xb8;
	[tilespmem:$0x1EC90] =	vst v63  }
0xa5: {  	s28 =	simm.s32 $0x480;
	s29 =	simm.s32 $0x18ED0  }
0xa6: {  	[spmem:s3] =	stream.indirect.scatter.add.f32 [tilespmem:s29], [sflag:$0x8], $0x10, s28, s23, $0xb8;
	[tilespmem:$0x1EC90] =	vst v63  }
0xa7: {  	s13 =	simm.s32 $0x500;
	s15 =	simm.s32 $0x196A0  }
0xa8: {  	[spmem:s3] =	stream.indirect.scatter.add.f32 [tilespmem:s15], [sflag:$0x8], $0x10, s13, s23, $0xb8;
	[tilespmem:$0x1EC90] =	vst v63  }
0xa9: {  	s21 =	simm.s32 $0x580;
	s25 =	simm.s32 $0x19E70  }
0xaa: {  	[spmem:s3] =	stream.indirect.scatter.add.f32 [tilespmem:s25], [sflag:$0x8], $0x10, s21, s23, $0xb8;
	[tilespmem:$0x1EC90] =	vst v63  }
0xab: {  	s28 =	simm.s32 $0x600;
	s29 =	simm.s32 $0x1A640  }
0xac: {  	[spmem:s3] =	stream.indirect.scatter.add.f32 [tilespmem:s29], [sflag:$0x8], $0x10, s28, s23, $0xb8;
	[tilespmem:$0x1EC90] =	vst v63  }
0xad: {  	s13 =	simm.s32 $0x680;
	s15 =	simm.s32 $0x1AE10  }
0xae: {  	[spmem:s3] =	stream.indirect.scatter.add.f32 [tilespmem:s15], [sflag:$0x8], $0x10, s13, s23, $0xb8;
	[tilespmem:$0x1EC90] =	vst v63  }
0xaf: {  	s21 =	simm.s32 $0x700;
	s25 =	simm.s32 $0x1B5E0  }
0xb0: {  	[spmem:s3] =	stream.indirect.scatter.add.f32 [tilespmem:s25], [sflag:$0x8], $0x10, s21, s23, $0xb8;
	[tilespmem:$0x1EC90] =	vst v63  }
0xb1: {  	s28 =	simm.s32 $0x780;
	s29 =	simm.s32 $0x1BDB0  }
0xb2: {  	[spmem:s3] =	stream.indirect.scatter.add.f32 [tilespmem:s29], [sflag:$0x8], $0x10, s28, s23, $0xb8;
	[tilespmem:$0x1EC90] =	vst v63  }
0xb3: {  	p1 =	seq.s32 s17, $0x4;
	_ =	swait.ge [sflag:s24], $0x3E80  }
.Ltmp2:
0xb4: {  	[sflag:s24] =	ssyncset.done $0x0;
	(pc) =	sbr.rel @p1 .LBB2_8-.Ltmp2, $4  }
0xb5: {  	[sflag:s24] =	ssyncadd.s32 $0xFFFFC180  }
0xb6: {  	_ =	swait.ge [sflag:s18], $0x3E80  }
0xb7: {  	[sflag:s18] =	ssyncset.done $0x0  }
0xb8: {  	[sflag:s18] =	ssyncadd.s32 $0xFFFFC180  }
0xb9: {  	s11 =	sadd.s32 $0x2, s16  }
0xba: {  	s7 =	rddreg [dreg:$0xe];
	s13 =	sshll.u32 s11, $0xA  }
0xbb: {  	s13 =	sadd.s32 s7, s13  }
0xbc: {  	s28 =	rddreg [dreg:$0x2];
	s13 =	sshrl.u32 s13, $0x3  }
0xbd: {  	s16 =	sadd.s32 s28, s13;
	s28 =	simm.s32 $0x0  }
0xbe: {  	[tilespmem:s28], [sflag:$0x9] =	stream.linear.gather [hbm4b:s16+s28], $0x400, $0x38;
	[tilespmem:$0x1EC90] =	vst v63  }
0xbf: {  	_ =	swait.ge [sflag:s20], $0x400  }
0xc0: {  	[sflag:s20] =	ssyncset.done $0x0;
	s29 =	rddreg [dreg:$0xd]  }
0xc1: {  	s7 =	simm.s32 $0x400;
	[sflag:s20] =	ssyncadd.s32 $0xFFFFFC00;
	s13 =	sadd.s32 s29, s13  }
0xc2: {  	[tilespmem:s7], [sflag:$0x9] =	stream.linear.gather [hbm4b:s13+s28], $0x400, $0x38;
	[tilespmem:$0x1EC90] =	vst v63  }
0xc3: {  	s11 =	smul.u32 $0x3E8, s11;
	_ =	swait.ge [sflag:s20], $0x400  }
0xc4: {  	[sflag:s20] =	ssyncset.done $0x0  }
0xc5: {  	s11 =	sadd.s32 s9, s11;
	[sflag:s20] =	ssyncadd.s32 $0xFFFFFC00  }
0xc6: {  	s11 =	sshll.u32 s11, $0x1;
	s10 =	rddreg [dreg:$0x1]  }
0xc7: {  	s11 =	sadd.s32 s10, s11;
	s10 =	simm.s32 $0x8500  }
0xc8: {  	[tilespmem:s10], [sflag:$0x3] =	stream.linear.gather [hbm4b:s11+s28], $0x3E80, $0x38;
	[tilespmem:$0x1EC90] =	vst v63  }
0xc9: {  	s13 =	simm.s32 $0x800  }
0xca: {  	[tilespmem:s13], [sflag:$0x1] =	stream.indirect.gather [hbm4b:s5+s23], $0x10, s28, s23, $0xb8;
	[tilespmem:$0x1EC90] =	vst v63  }
0xcb: {  	s15 =	simm.s32 $0x4680  }
0xcc: {  	[tilespmem:s15], [sflag:$0x2] =	stream.indirect.gather [hbm4b:s6+s23], $0x10, s7, s23, $0xb8;
	[tilespmem:$0x1EC90] =	vst v63  }
0xcd: {  	s21 =	simm.s32 $0xFD0  }
0xce: {  	[tilespmem:s21], [sflag:$0x1] =	stream.indirect.gather [hbm4b:s5+s23], $0x10, s4, s23, $0xb8;
	[tilespmem:$0x1EC90] =	vst v63  }
0xcf: {  	s25 =	simm.s32 $0x480;
	s28 =	simm.s32 $0x4E50  }
0xd0: {  	[tilespmem:s28], [sflag:$0x2] =	stream.indirect.gather [hbm4b:s6+s23], $0x10, s25, s23, $0xb8;
	[tilespmem:$0x1EC90] =	vst v63  }
0xd1: {  	s29 =	simm.s32 $0x100;
	s7 =	simm.s32 $0x17A0  }
0xd2: {  	[tilespmem:s7], [sflag:$0x1] =	stream.indirect.gather [hbm4b:s5+s23], $0x10, s29, s23, $0xb8;
	[tilespmem:$0x1EC90] =	vst v63  }
0xd3: {  	s13 =	simm.s32 $0x500;
	s15 =	simm.s32 $0x5620  }
0xd4: {  	[tilespmem:s15], [sflag:$0x2] =	stream.indirect.gather [hbm4b:s6+s23], $0x10, s13, s23, $0xb8;
	[tilespmem:$0x1EC90] =	vst v63  }
0xd5: {  	s16 =	simm.s32 $0x180;
	s21 =	simm.s32 $0x1F70  }
0xd6: {  	[tilespmem:s21], [sflag:$0x1] =	stream.indirect.gather [hbm4b:s5+s23], $0x10, s16, s23, $0xb8;
	[tilespmem:$0x1EC90] =	vst v63  }
0xd7: {  	s25 =	simm.s32 $0x580;
	s28 =	simm.s32 $0x5DF0  }
0xd8: {  	[tilespmem:s28], [sflag:$0x2] =	stream.indirect.gather [hbm4b:s6+s23], $0x10, s25, s23, $0xb8;
	[tilespmem:$0x1EC90] =	vst v63  }
0xd9: {  	s29 =	simm.s32 $0x200;
	s7 =	simm.s32 $0x2740  }
0xda: {  	[tilespmem:s7], [sflag:$0x1] =	stream.indirect.gather [hbm4b:s5+s23], $0x10, s29, s23, $0xb8;
	[tilespmem:$0x1EC90] =	vst v63  }
0xdb: {  	s13 =	simm.s32 $0x600;
	s15 =	simm.s32 $0x65C0  }
0xdc: {  	[tilespmem:s15], [sflag:$0x2] =	stream.indirect.gather [hbm4b:s6+s23], $0x10, s13, s23, $0xb8;
	[tilespmem:$0x1EC90] =	vst v63  }
0xdd: {  	s16 =	simm.s32 $0x280;
	s21 =	simm.s32 $0x2F10  }
0xde: {  	[tilespmem:s21], [sflag:$0x1] =	stream.indirect.gather [hbm4b:s5+s23], $0x10, s16, s23, $0xb8;
	[tilespmem:$0x1EC90] =	vst v63  }
0xdf: {  	s25 =	simm.s32 $0x680;
	s28 =	simm.s32 $0x6D90  }
0xe0: {  	[tilespmem:s28], [sflag:$0x2] =	stream.indirect.gather [hbm4b:s6+s23], $0x10, s25, s23, $0xb8;
	[tilespmem:$0x1EC90] =	vst v63  }
0xe1: {  	s29 =	simm.s32 $0x300;
	s7 =	simm.s32 $0x36E0  }
0xe2: {  	[tilespmem:s7], [sflag:$0x1] =	stream.indirect.gather [hbm4b:s5+s23], $0x10, s29, s23, $0xb8;
	[tilespmem:$0x1EC90] =	vst v63  }
0xe3: {  	s15 =	simm.s32 $0x700;
	s16 =	simm.s32 $0x7560  }
0xe4: {  	[tilespmem:s16], [sflag:$0x2] =	stream.indirect.gather [hbm4b:s6+s23], $0x10, s15, s23, $0xb8;
	[tilespmem:$0x1EC90] =	vst v63  }
0xe5: {  	s21 =	simm.s32 $0x380;
	s25 =	simm.s32 $0x3EB0  }
0xe6: {  	[tilespmem:s25], [sflag:$0x1] =	stream.indirect.gather [hbm4b:s5+s23], $0x10, s21, s23, $0xb8;
	[tilespmem:$0x1EC90] =	vst v63  }
0xe7: {  	s10 =	simm.s32 $0x400;
	s28 =	simm.s32 $0x780;
	s29 =	simm.s32 $0x7D30  }
0xe8: {  	[tilespmem:s29], [sflag:$0x2] =	stream.indirect.gather [hbm4b:s6+s23], $0x10, s28, s23, $0xb8;
	[tilespmem:$0x1EC90] =	vst v63  }
.LBB2_8:
0xe9: {  	_ =	swait.ge [sflag:s31], $0x3E80  }
0xea: {  	[sflag:s31] =	ssyncset.done $0x0  }
0xeb: {  	[sflag:s31] =	ssyncadd.s32 $0xFFFFC180  }
0xec: {  	_ =	swait.ge [sflag:s22], $0x3E80  }
0xed: {  	[sflag:s22] =	ssyncset.done $0x0  }
0xee: {  	[sflag:s22] =	ssyncadd.s32 $0xFFFFC180  }
0xef: {  	_ =	swait.ge [sflag:s14], $0x3E80  }
0xf0: {  	[sflag:s14] =	ssyncset.done $0x0  }
0xf1: {  	s11 =	simm.s32 $0x0;
	[sflag:s14] =	ssyncadd.s32 $0xFFFFC180  }
0xf2: {  	v1 =	vld [tilespmem:s11+$0x14880]  }
0xf3: {  	v2 =	vld [tilespmem:s11+$0xCB80];
	_ =	sdelay $0x1  }
0xf4: {  	v3 =	vld [tilespmem:s11+$0x10A00];
	_ =	sdelay $0x2  }
0xf5: {  	s16 =	simm.s32 $0x10;
	v2 =	vadd.f32 v2, v1  }
0xf6: {  	v1 =	vld [tilespmem:s16+$0x14880]  }
0xf7: {  	v4 =	vadd.f32 v3, v2;
	v2 =	vld [tilespmem:s16+$0xCB80];
	_ =	sdelay $0x1  }
0xf8: {  	v3 =	vld [tilespmem:s16+$0x10A00]  }
0xf9: {  	s13 =	simm.s32 $0x80;
	s29 =	simm.s32 $0xC880;
	v4 =	vmax.f32 v4, $0.0e+00  }
.LBB2_9:
0xfa: {  	[tilespmem:s11+$0x18700] =	vst v4;
	s11 =	smov.u32 s16;
	s16 =	sshra.s32 s13, $0x2;
	p1 =	sne.s32 s13, $0xF9C0  }
.Ltmp3:
0xfb: {  	s13 =	sadd.s32 $0x40, s13;
	v4 =	vadd.f32 v2, v1;
	v1 =	vld [tilespmem:s16+$0x14880];
	(pc) =	sbr.rel @p1 .LBB2_9-.Ltmp3, $4  }
0xfc: {  	v2 =	vld [tilespmem:s16+$0xCB80]  }
0xfd: {  	v4 =	vadd.f32 v3, v4  }
0xfe: {  	v3 =	vld [tilespmem:s16+$0x10A00]  }
0xff: {  	v4 =	vmax.f32 v4, $0.0e+00  }
0x100: {  	_ = 	snop  }
0x101: {  	v1 =	vadd.f32 v2, v1;
	_ =	sdelay $0x1  }
0x102: {  	v1 =	vadd.f32 v3, v1;
	_ =	sdelay $0x1  }
0x103: {  	[tilespmem:s11+$0x18700] =	vst v4;
	s25 =	sand.u32 $0x1FFFFF80, s30;
	v1 =	vmax.f32 v1, $0.0e+00  }
0x104: {  	s7 =	simm.s32 $0x10;
	s11 =	sadd.s32 s8, s25;
	[tilespmem:s16+$0x18700] =	vst v1  }
0x105: {  	[hbm4b:s11+s7] =	stream.strided.scatter [tilespmem:s0], [sflag:$0x7], $0x3E80, s4, s7, $0x38;
	[tilespmem:$0x1EC90] =	vst v63  }
0x106: {  	_ = 	snop  }
0x107: {  	[spmem:s3] =	stream.indirect.scatter.add.f32 [tilespmem:s0], [sflag:$0x8], $0x10, s26, s23, $0xb8;
	[tilespmem:$0x1EC90] =	vst v63  }
0x108: {  	s30 =	simm.s32 $0xC800;
	s28 =	simm.s32 $0x18ED0  }
0x109: {  	[spmem:s3] =	stream.indirect.scatter.add.f32 [tilespmem:s28], [sflag:$0x8], $0x10, s30, s23, $0xb8;
	[tilespmem:$0x1EC90] =	vst v63  }
0x10a: {  	s7 =	simm.s32 $0x196A0  }
0x10b: {  	[spmem:s3] =	stream.indirect.scatter.add.f32 [tilespmem:s7], [sflag:$0x8], $0x10, s29, s23, $0xb8;
	[tilespmem:$0x1EC90] =	vst v63  }
0x10c: {  	s4 =	simm.s32 $0xC900;
	s11 =	simm.s32 $0x19E70  }
0x10d: {  	[spmem:s3] =	stream.indirect.scatter.add.f32 [tilespmem:s11], [sflag:$0x8], $0x10, s4, s23, $0xb8;
	[tilespmem:$0x1EC90] =	vst v63  }
0x10e: {  	s21 =	simm.s32 $0xC980;
	s13 =	simm.s32 $0x1A640  }
0x10f: {  	[spmem:s3] =	stream.indirect.scatter.add.f32 [tilespmem:s13], [sflag:$0x8], $0x10, s21, s23, $0xb8;
	[tilespmem:$0x1EC90] =	vst v63  }
0x110: {  	s15 =	simm.s32 $0x1AE10;
	s25 =	simm.s32 $0xCA00  }
0x111: {  	[spmem:s3] =	stream.indirect.scatter.add.f32 [tilespmem:s15], [sflag:$0x8], $0x10, s25, s23, $0xb8;
	[tilespmem:$0x1EC90] =	vst v63  }
0x112: {  	s16 =	simm.s32 $0x1B5E0;
	s7 =	simm.s32 $0xCA80  }
0x113: {  	[spmem:s3] =	stream.indirect.scatter.add.f32 [tilespmem:s16], [sflag:$0x8], $0x10, s7, s23, $0xb8;
	[tilespmem:$0x1EC90] =	vst v63  }
0x114: {  	s17 =	sadd.s32 $0x1, s17;
	s28 =	simm.s32 $0x1BDB0;
	s15 =	simm.s32 $0xCB00  }
0x115: {  	[spmem:s3] =	stream.indirect.scatter.add.f32 [tilespmem:s28], [sflag:$0x8], $0x10, s15, s23, $0xb8;
	[tilespmem:$0x1EC90] =	vst v63  }
0x116: {  	p1 =	sne.s32 s17, $0x5;
	_ =	swait.ge [sflag:s24], $0x3E80  }
.Ltmp4:
0x117: {  	[sflag:s24] =	ssyncset.done $0x0;
	(pc) =	sbr.rel @p1 .LBB2_4-.Ltmp4, $4  }
0x118: {  	[sflag:s24] =	ssyncadd.s32 $0xFFFFC180  }
0x119: {  	_ =	swait.ge [sflag:s18], $0x3E80  }
0x11a: {  	[sflag:s18] =	ssyncset.done $0x0  }
0x11b: {  	[sflag:s18] =	ssyncadd.s32 $0xFFFFC180  }
0x11c: {  	[bflag:$0x0] =	sbarrier.arrive $0xFFFF  }
0x11d: {  	s12 =	simm.s32 $0x800;
	s17 =	rddreg [dreg:$0x5]  }
0x11e: {  	[tilespmem:s12], [sflag:$0x9] =	stream.linear.gather [spmem:s17], $0x2700, $0x38;
	[tilespmem:$0x1EC90] =	vst v63  }
0x11f: {  	_ =	swait.ge [sflag:s20], $0x2700  }
0x120: {  	s4 =	simm.s32 $0x80;
	[sflag:s20] =	ssyncset.done $0x0  }
0x121: {  	s7 =	simm.s32 $0x10;
	s11 =	rddreg [dreg:$0xa];
	[sflag:s20] =	ssyncadd.s32 $0xFFFFD900  }
0x122: {  	[hbm4b:s11+s7] =	stream.strided.scatter [tilespmem:s12], [sflag:$0x9], $0x2700, s4, s7, $0x38;
	[tilespmem:$0x1EC90] =	vst v63  }
0x123: {  	_ =	swait.ge [sflag:s20], $0x2700  }
0x124: {  	s11 =	simm.s32 @!p0 $0x4680;
	[sflag:s20] =	ssyncset.done $0x0  }
0x125: {  	s12 =	simm.s32 @!p0 $0x9;
	s28 =	rddreg [dreg:$0x6];
	[sflag:s20] =	ssyncadd.s32 $0xFFFFD900  }
0x126: {  	[tilespmem:s11], [sflag:$0x9] =	stream.linear.gather @!p0 [spmem:s28], $0x100, $0x38;
	[tilespmem:$0x1EC90] =	vst v63  }
0x127: {  	_ =	swait.ge @!p0 [sflag:s12], $0x100  }
0x128: {  	s13 =	simm.s32 @!p0 $0x10;
	[sflag:s12] =	ssyncset.done @!p0 $0x0  }
0x129: {  	s16 =	simm.s32 @!p0 $0x80;
	s29 =	rddreg [dreg:$0xb];
	[sflag:s12] =	ssyncadd.s32 @!p0 $0xFFFFFF00  }
0x12a: {  	[hbm4b:s29+s13] =	stream.strided.scatter @!p0 [tilespmem:s11], [sflag:$0x9], $0x100, s16, s13, $0x38;
	[tilespmem:$0x1EC90] =	vst v63  }
0x12b: {  	_ =	swait.ge @!p0 [sflag:s12], $0x100  }
0x12c: {  	s21 =	rddreg [dreg:$0xf]  }
0x12d: {  	s25 =	rddreg [dreg:$0xc];
	s7 =	sadd.s32 $0x1, s21  }
0x12e: {  	p1 =	sne.s32 s7, s25  }
.Ltmp5:
0x12f: {  	_ = 	snop;
	(pc) =	sbr.rel @p1 .LBB2_1-.Ltmp5, $3  }
0x130: {  	_ =	sdelay $0x1  }
0x131: {  	[sflag:s12] =	ssyncset.done @!p0 $0x0  }
0x132: {  	s29 =	simm.s32 $0xC880;
	[sflag:s12] =	ssyncadd.s32 @!p0 $0xFFFFFF00  }
0x133: {  	_ =	sfence.sel $0x180000  }
0x134: {  	[bflag:$0x0] =	sbarrier.arrive $0xFFFF  }
0x135: {  	_ =	strace $0x90000047  }
0x136: {  	[bflag:$0x2] =	sbarrier.arrive $0xFFFF  }
0x137: {  	s0 =	rddreg [dreg:$0x4]  }
0x138: {  	s0 =	sadd.s32 @!p0 $0x100000, s0  }
0x139: {  	[sflag:s0] =	ssyncadd.tile.s32 @!p0 $0x1;
	_ =	shalt  }
.Lfunc_end2:
_tile_overlayer_lowered:
.L_overlay_start_2:
0x13a: {  	(tag) =	ssettag $0x2  }
0x13b: {  	s0 =	rddreg [dreg:$0x0];
	s2 =	stileid.u32  }
0x13c: {  	s1 =	rddreg [dreg:$0x1];
	p0 =	sne.s32 s2, $0x0  }
0x13d: {  	s3 =	rddreg [dreg:$0x2];
	[bflag:$0x3] =	sbarrier.arrive $0xFFFF;
	s2 =	simm.s32 @!p0 $0x1C09  }
0x13e: {  	[timem:s3], [sflag:s2] =	dma.local @!p0 [hbm:s0], s1  }
0x13f: {  	s0 =	simm.s32 @!p0 $0x9  }
0x140: {  	_ =	swait.ge @!p0 [sflag:s0], s1  }
0x141: {  	s1 =	ssub.s32 @!p0 $0x0, s1;
	[sflag:s0] =	ssyncset.done @!p0 $0x0  }
0x142: {  	[sflag:s0] =	ssyncadd.s32 @!p0 s1  }
0x143: {  	[bflag:$0x3] =	sbarrier.arrive $0xFFFF  }
0x144: {  	_ =	shalt  }

</sc_bundles>
